<compile_context>
chip_gen: v7x
topology: tpu7x:2x2x1
jax: 0.10.2.dev20260603
libtpu: 0.0.44.dev20260713+nightly
codegen_flags: <defaults>
</compile_context>

<pallas_src>
import functools

import jax
import jax.numpy as jnp
import numpy as np
from jax import lax
from jax.experimental import pallas as pl
from jax.experimental.pallas import tpu as pltpu
from jax.experimental.pallas import tpu_sc as plsc


_N = 2048
_NC, _NS = 2, 16
_NW = _NC * _NS


def _nnd_sc(input1, input2):
    bsz, n, _ = input1.shape
    t1 = jnp.transpose(input1, (0, 2, 1))
    t2 = jnp.transpose(input2, (0, 2, 1))
    q = jnp.stack([t1, t2], axis=1).reshape(2 * bsz, 3, n)
    r = jnp.stack([t2, t1], axis=1).reshape(2 * bsz, 3, n)
    ndir = 2 * bsz
    wpd = max(_NW // ndir, 1)
    qpw = n // wpd
    ngrp = qpw // 16

    mesh = plsc.VectorSubcoreMesh(
        core_axis_name="c", subcore_axis_name="s",
        num_cores=_NC, num_subcores=_NS,
    )

    @functools.partial(
        pl.kernel,
        out_type=jax.ShapeDtypeStruct((ndir * n,), jnp.float32),
        mesh=mesh,
        scratch_types=[
            pltpu.VMEM((n,), jnp.float32),
            pltpu.VMEM((n,), jnp.float32),
            pltpu.VMEM((n,), jnp.float32),
            pltpu.VMEM((qpw,), jnp.float32),
            pltpu.VMEM((qpw,), jnp.float32),
            pltpu.VMEM((qpw,), jnp.float32),
            pltpu.VMEM((qpw,), jnp.float32),
        ],
    )
    def sc_kernel(q_hbm, r_hbm, out_hbm, rx, ry, rz, qx, qy, qz, ob):
        wid = lax.axis_index("s") * _NC + lax.axis_index("c")
        d = wid // wpd
        qb = (wid % wpd) * qpw
        rbase = d * 3 * n
        qbase = d * 3 * n + qb
        pltpu.sync_copy(r_hbm.at[pl.ds(rbase, n)], rx)
        pltpu.sync_copy(r_hbm.at[pl.ds(rbase + n, n)], ry)
        pltpu.sync_copy(r_hbm.at[pl.ds(rbase + 2 * n, n)], rz)
        pltpu.sync_copy(q_hbm.at[pl.ds(qbase, qpw)], qx)
        pltpu.sync_copy(q_hbm.at[pl.ds(qbase + n, qpw)], qy)
        pltpu.sync_copy(q_hbm.at[pl.ds(qbase + 2 * n, qpw)], qz)

        def group_body(g, _):
            base = g * 16
            qxv = qx[pl.ds(base, 16)]
            qyv = qy[pl.ds(base, 16)]
            qzv = qz[pl.ds(base, 16)]
            m0 = jnp.full((16,), 3.4e38, jnp.float32)

            def ref_body(c, m):
                rbase = c * 16
                rxv = rx[pl.ds(rbase, 16)]
                ryv = ry[pl.ds(rbase, 16)]
                rzv = rz[pl.ds(rbase, 16)]
                for k in range(16):
                    dx = qxv - jnp.full((16,), rxv[k])
                    dy = qyv - jnp.full((16,), ryv[k])
                    dz = qzv - jnp.full((16,), rzv[k])
                    dd = dx * dx + dy * dy + dz * dz
                    m = jnp.minimum(m, dd)
                return m

            m = lax.fori_loop(0, n // 16, ref_body, m0)
            ob[pl.ds(base, 16)] = m
            return 0

        lax.fori_loop(0, ngrp, group_body, 0)
        pltpu.sync_copy(ob, out_hbm.at[pl.ds(d * n + qb, qpw)])

    out = sc_kernel(q.reshape(-1), r.reshape(-1)).reshape(ndir, n)
    return out[0::2], out[1::2]


def _hi_lo(x):
    hi = x.astype(jnp.bfloat16)
    lo = (x - hi.astype(jnp.float32)).astype(jnp.bfloat16)
    return hi, lo


def _nnd_batch_kernel(p1_ref, p2_ref, d1_ref, d2_ref):
    p1 = p1_ref[0]
    p2 = p2_ref[0]
    n1 = jnp.sum(p1 * p1, axis=1, keepdims=True)
    n2 = jnp.sum(p2 * p2, axis=1, keepdims=True)
    b2 = -2.0 * p2
    p1h, p1l = _hi_lo(p1)
    b2h, b2l = _hi_lo(b2)
    n1h, n1l = _hi_lo(n1)
    n2h, n2l = _hi_lo(n2)
    one = jnp.ones_like(n1h)
    a = jnp.concatenate([p1h, p1h, p1l, n1h, n1l, one, one], axis=1)
    b = jnp.concatenate([b2h, b2l, b2h, one, one, n2h, n2l], axis=1)
    d = jax.lax.dot_general(
        a, b, (((1,), (1,)), ((), ())),
        preferred_element_type=jnp.float32,
    )
    d1_ref[0, 0] = jnp.min(d, axis=1)
    d2_ref[0, 0] = jnp.min(d, axis=0)


def _nnd_pallas(input1, input2):
    bsz, n, _ = input1.shape
    grid = (bsz,)
    out_shape = (
        jax.ShapeDtypeStruct((bsz, 1, n), jnp.float32),
        jax.ShapeDtypeStruct((bsz, 1, n), jnp.float32),
    )
    d1, d2 = pl.pallas_call(
        _nnd_batch_kernel,
        grid=grid,
        in_specs=[
            pl.BlockSpec((1, n, 3), lambda b: (b, 0, 0)),
            pl.BlockSpec((1, n, 3), lambda b: (b, 0, 0)),
        ],
        out_specs=(
            pl.BlockSpec((1, 1, n), lambda b: (b, 0, 0)),
            pl.BlockSpec((1, 1, n), lambda b: (b, 0, 0)),
        ),
        out_shape=out_shape,
    )(input1, input2)
    return d1.reshape(bsz, n), d2.reshape(bsz, n)


def kernel(input1, input2):
    d1_sc, d2_sc = _nnd_sc(input1[:1], input2[:1])
    d1_tc, d2_tc = _nnd_pallas(input1[1:], input2[1:])
    return (jnp.concatenate([d1_sc, d1_tc], axis=0),
            jnp.concatenate([d2_sc, d2_tc], axis=0))

# --- scband reference (transcript-rebuilt; emitter-appended) ---
"""Pipeline reference for scband-nndmodule-56521769616124 (READ-ONLY COPY).

The authoritative reference and input builder live on the scoring server;
editing this copy changes nothing except your own understanding.
"""

import jax, jax.numpy as jnp
import numpy as np


def setup_inputs(seed: int = 0) -> dict:
    key = jax.random.key(seed)
    k1, k2 = jax.random.split(key)
    input1 = jax.random.normal(k1, (8, 2048, 3), dtype=jnp.float32)
    input2 = jax.random.normal(k2, (8, 2048, 3), dtype=jnp.float32)
    return {"input1": input1, "input2": input2}


def _nnd_single(p1, p2):
    # p1: [N, 3], p2: [M, 3]
    # full pairwise squared euclidean distances, [N, M]
    diff = p1[:, None, :] - p2[None, :, :]
    d = jnp.sum(diff * diff, axis=-1)
    dist1 = jnp.min(d, axis=1)  # nearest neighbor in p2 for each point of p1
    dist2 = jnp.min(d, axis=0)  # nearest neighbor in p1 for each point of p2
    return dist1, dist2


def reference(input1, input2):
    # Faithful translation of NNDFunction (chamfer nearest-neighbor distance):
    # returns squared distance of each point to its nearest neighbor in the
    # other point cloud, per batch element.
    dist1, dist2 = jax.vmap(_nnd_single)(input1, input2)
    return dist1, dist2

if __name__ == "__main__":
    import jax
    _d = setup_inputs()
    print(jax.jit(kernel)(*tuple(_d.values())))

</pallas_src>

<mosaic_0001>
#map = affine_map<(d0, d1) -> (0)>
module attributes {stable_mosaic.version = 14 : i64} {
  func.func @sc_kernel(%arg0: i32, %arg1: i32, %arg2: memref<12288xf32, #tpu.memory_space<hbm>>, %arg3: memref<12288xf32, #tpu.memory_space<hbm>>, %arg4: memref<4096xf32, #tpu.memory_space<hbm>>, %arg5: memref<2048xf32, #tpu.memory_space<vmem>>, %arg6: memref<2048xf32, #tpu.memory_space<vmem>>, %arg7: memref<2048xf32, #tpu.memory_space<vmem>>, %arg8: memref<128xf32, #tpu.memory_space<vmem>>, %arg9: memref<128xf32, #tpu.memory_space<vmem>>, %arg10: memref<128xf32, #tpu.memory_space<vmem>>, %arg11: memref<128xf32, #tpu.memory_space<vmem>>) attributes {dimension_semantics = [#tpu.dimension_semantics<core_parallel>, #tpu.dimension_semantics<subcore_parallel>], iteration_bounds = array<i64: 2, 16>, scalar_prefetch = 0 : i64, scratch_operands = 7 : i64, tpu.core_type = #tpu.core_type<sc_vector_subcore>, window_params = [{transform_indices = #map}, {transform_indices = #map}, {transform_indices = #map}]} {
    %mul3A = arith.constant 2 : i32
    %mul3A_0 = arith.muli %arg1, %mul3A : i32
    %add3A = arith.addi %mul3A_0, %arg0 : i32
    %jit3A = arith.constant 16 : i32
    %div3A = arith.divsi %add3A, %jit3A : i32
    %sign3A = arith.constant 0 : i32
    %sign3A_1 = arith.cmpi sgt, %add3A, %sign3A : i32
    %sign3A_2 = arith.extui %sign3A_1 : i1 to i32
    %sign3A_3 = arith.constant 0 : i32
    %sign3A_4 = arith.cmpi slt, %add3A, %sign3A_3 : i32
    %sign3A_5 = arith.extui %sign3A_4 : i1 to i32
    %sign3A_6 = arith.subi %sign3A_2, %sign3A_5 : i32
    %sign3A_7 = arith.constant 0 : i32
    %sign3A_8 = arith.cmpi sgt, %jit3A, %sign3A_7 : i32
    %sign3A_9 = arith.extui %sign3A_8 : i1 to i32
    %sign3A_10 = arith.constant 0 : i32
    %sign3A_11 = arith.cmpi slt, %jit3A, %sign3A_10 : i32
    %sign3A_12 = arith.extui %sign3A_11 : i1 to i32
    %sign3A_13 = arith.subi %sign3A_9, %sign3A_12 : i32
    %ne3A = arith.cmpi ne, %sign3A_6, %sign3A_13 : i32
    %rem3A = arith.remsi %add3A, %jit3A : i32
    %ne3A_14 = arith.constant 0 : i32
    %ne3A_15 = arith.cmpi ne, %rem3A, %ne3A_14 : i32
    %and3A = arith.andi %ne3A, %ne3A_15 : i1
    %sub3A = arith.constant 1 : i32
    %sub3A_16 = arith.subi %div3A, %sub3A : i32
    %select_n3A = arith.select %and3A, %sub3A_16, %div3A : i32
    %jit3A_17 = arith.constant 16 : i32
    %eq3A = arith.constant 0 : i32
    %eq3A_18 = arith.cmpi eq, %jit3A_17, %eq3A : i32
    %jit3A_19 = arith.constant 1 : i32
    %select_n3A_20 = arith.select %eq3A_18, %jit3A_19, %jit3A_17 : i32
    %rem3A_21 = arith.remsi %add3A, %select_n3A_20 : i32
    %ne3A_22 = arith.constant 0 : i32
    %ne3A_23 = arith.cmpi ne, %rem3A_21, %ne3A_22 : i32
    %lt3A = arith.constant 0 : i32
    %lt3A_24 = arith.cmpi slt, %rem3A_21, %lt3A : i32
    %lt3A_25 = arith.constant 0 : i32
    %lt3A_26 = arith.cmpi slt, %select_n3A_20, %lt3A_25 : i32
    %ne3A_27 = arith.xori %lt3A_24, %lt3A_26 : i1
    %and3A_28 = arith.andi %ne3A_27, %ne3A_23 : i1
    %add3A_29 = arith.addi %rem3A_21, %select_n3A_20 : i32
    %select_n3A_30 = arith.select %and3A_28, %add3A_29, %rem3A_21 : i32
    %mul3A_31 = arith.constant 128 : i32
    %mul3A_32 = arith.muli %select_n3A_30, %mul3A_31 : i32
    %mul3A_33 = arith.constant 3 : i32
    %mul3A_34 = arith.muli %select_n3A, %mul3A_33 : i32
    %mul3A_35 = arith.constant 2048 : i32
    %mul3A_36 = arith.muli %mul3A_34, %mul3A_35 : i32
    %mul3A_37 = arith.constant 3 : i32
    %mul3A_38 = arith.muli %select_n3A, %mul3A_37 : i32
    %mul3A_39 = arith.constant 2048 : i32
    %mul3A_40 = arith.muli %mul3A_38, %mul3A_39 : i32
    %add3A_41 = arith.addi %mul3A_40, %mul3A_32 : i32
    "tpu.region"() ({
      %run_scoped3A = tpu.sem_alloc : memref<!tpu.dma_semaphore, #tpu.memory_space<semaphore_mem>>
      %dma_start3A = tpu.memref_slice %arg3[%mul3A_36] : memref<12288xf32, #tpu.memory_space<hbm>> -> memref<2048xf32, #tpu.memory_space<hbm>>
      %dma_start3A_59 = tpu.memref_slice %arg3[%mul3A_36] : memref<12288xf32, #tpu.memory_space<hbm>> -> memref<2048xf32, #tpu.memory_space<hbm>>
      tpu.enqueue_dma source(%dma_start3A_59 : memref<2048xf32, #tpu.memory_space<hbm>>) target(%arg5 : memref<2048xf32, #tpu.memory_space<vmem>>) target_semaphore(%run_scoped3A : memref<!tpu.dma_semaphore, #tpu.memory_space<semaphore_mem>>)
      %dma_wait3A = tpu.memref_slice %arg3[%mul3A_36] : memref<12288xf32, #tpu.memory_space<hbm>> -> memref<2048xf32, #tpu.memory_space<hbm>>
      %dma_wait3A_60 = tpu.memref_slice %arg3[%mul3A_36] : memref<12288xf32, #tpu.memory_space<hbm>> -> memref<2048xf32, #tpu.memory_space<hbm>>
      tpu.wait_dma2 semaphore(%run_scoped3A : memref<!tpu.dma_semaphore, #tpu.memory_space<semaphore_mem>>) src(%dma_wait3A_60 : memref<2048xf32, #tpu.memory_space<hbm>>) dst(%arg5 : memref<2048xf32, #tpu.memory_space<vmem>>)
      tpu.yield
    }) : () -> ()
    %add3A_42 = arith.constant 2048 : i32
    %add3A_43 = arith.addi %mul3A_36, %add3A_42 : i32
    "tpu.region"() ({
      %run_scoped3A = tpu.sem_alloc : memref<!tpu.dma_semaphore, #tpu.memory_space<semaphore_mem>>
      %dma_start3A = tpu.memref_slice %arg3[%add3A_43] : memref<12288xf32, #tpu.memory_space<hbm>> -> memref<2048xf32, #tpu.memory_space<hbm>>
      %dma_start3A_59 = tpu.memref_slice %arg3[%add3A_43] : memref<12288xf32, #tpu.memory_space<hbm>> -> memref<2048xf32, #tpu.memory_space<hbm>>
      tpu.enqueue_dma source(%dma_start3A_59 : memref<2048xf32, #tpu.memory_space<hbm>>) target(%arg6 : memref<2048xf32, #tpu.memory_space<vmem>>) target_semaphore(%run_scoped3A : memref<!tpu.dma_semaphore, #tpu.memory_space<semaphore_mem>>)
      %dma_wait3A = tpu.memref_slice %arg3[%add3A_43] : memref<12288xf32, #tpu.memory_space<hbm>> -> memref<2048xf32, #tpu.memory_space<hbm>>
      %dma_wait3A_60 = tpu.memref_slice %arg3[%add3A_43] : memref<12288xf32, #tpu.memory_space<hbm>> -> memref<2048xf32, #tpu.memory_space<hbm>>
      tpu.wait_dma2 semaphore(%run_scoped3A : memref<!tpu.dma_semaphore, #tpu.memory_space<semaphore_mem>>) src(%dma_wait3A_60 : memref<2048xf32, #tpu.memory_space<hbm>>) dst(%arg6 : memref<2048xf32, #tpu.memory_space<vmem>>)
      tpu.yield
    }) : () -> ()
    %add3A_44 = arith.constant 4096 : i32
    %add3A_45 = arith.addi %mul3A_36, %add3A_44 : i32
    "tpu.region"() ({
      %run_scoped3A = tpu.sem_alloc : memref<!tpu.dma_semaphore, #tpu.memory_space<semaphore_mem>>
      %dma_start3A = tpu.memref_slice %arg3[%add3A_45] : memref<12288xf32, #tpu.memory_space<hbm>> -> memref<2048xf32, #tpu.memory_space<hbm>>
      %dma_start3A_59 = tpu.memref_slice %arg3[%add3A_45] : memref<12288xf32, #tpu.memory_space<hbm>> -> memref<2048xf32, #tpu.memory_space<hbm>>
      tpu.enqueue_dma source(%dma_start3A_59 : memref<2048xf32, #tpu.memory_space<hbm>>) target(%arg7 : memref<2048xf32, #tpu.memory_space<vmem>>) target_semaphore(%run_scoped3A : memref<!tpu.dma_semaphore, #tpu.memory_space<semaphore_mem>>)
      %dma_wait3A = tpu.memref_slice %arg3[%add3A_45] : memref<12288xf32, #tpu.memory_space<hbm>> -> memref<2048xf32, #tpu.memory_space<hbm>>
      %dma_wait3A_60 = tpu.memref_slice %arg3[%add3A_45] : memref<12288xf32, #tpu.memory_space<hbm>> -> memref<2048xf32, #tpu.memory_space<hbm>>
      tpu.wait_dma2 semaphore(%run_scoped3A : memref<!tpu.dma_semaphore, #tpu.memory_space<semaphore_mem>>) src(%dma_wait3A_60 : memref<2048xf32, #tpu.memory_space<hbm>>) dst(%arg7 : memref<2048xf32, #tpu.memory_space<vmem>>)
      tpu.yield
    }) : () -> ()
    "tpu.region"() ({
      %run_scoped3A = tpu.sem_alloc : memref<!tpu.dma_semaphore, #tpu.memory_space<semaphore_mem>>
      %dma_start3A = tpu.memref_slice %arg2[%add3A_41] : memref<12288xf32, #tpu.memory_space<hbm>> -> memref<128xf32, #tpu.memory_space<hbm>>
      %dma_start3A_59 = tpu.memref_slice %arg2[%add3A_41] : memref<12288xf32, #tpu.memory_space<hbm>> -> memref<128xf32, #tpu.memory_space<hbm>>
      tpu.enqueue_dma source(%dma_start3A_59 : memref<128xf32, #tpu.memory_space<hbm>>) target(%arg8 : memref<128xf32, #tpu.memory_space<vmem>>) target_semaphore(%run_scoped3A : memref<!tpu.dma_semaphore, #tpu.memory_space<semaphore_mem>>)
      %dma_wait3A = tpu.memref_slice %arg2[%add3A_41] : memref<12288xf32, #tpu.memory_space<hbm>> -> memref<128xf32, #tpu.memory_space<hbm>>
      %dma_wait3A_60 = tpu.memref_slice %arg2[%add3A_41] : memref<12288xf32, #tpu.memory_space<hbm>> -> memref<128xf32, #tpu.memory_space<hbm>>
      tpu.wait_dma2 semaphore(%run_scoped3A : memref<!tpu.dma_semaphore, #tpu.memory_space<semaphore_mem>>) src(%dma_wait3A_60 : memref<128xf32, #tpu.memory_space<hbm>>) dst(%arg8 : memref<128xf32, #tpu.memory_space<vmem>>)
      tpu.yield
    }) : () -> ()
    %add3A_46 = arith.constant 2048 : i32
    %add3A_47 = arith.addi %add3A_41, %add3A_46 : i32
    "tpu.region"() ({
      %run_scoped3A = tpu.sem_alloc : memref<!tpu.dma_semaphore, #tpu.memory_space<semaphore_mem>>
      %dma_start3A = tpu.memref_slice %arg2[%add3A_47] : memref<12288xf32, #tpu.memory_space<hbm>> -> memref<128xf32, #tpu.memory_space<hbm>>
      %dma_start3A_59 = tpu.memref_slice %arg2[%add3A_47] : memref<12288xf32, #tpu.memory_space<hbm>> -> memref<128xf32, #tpu.memory_space<hbm>>
      tpu.enqueue_dma source(%dma_start3A_59 : memref<128xf32, #tpu.memory_space<hbm>>) target(%arg9 : memref<128xf32, #tpu.memory_space<vmem>>) target_semaphore(%run_scoped3A : memref<!tpu.dma_semaphore, #tpu.memory_space<semaphore_mem>>)
      %dma_wait3A = tpu.memref_slice %arg2[%add3A_47] : memref<12288xf32, #tpu.memory_space<hbm>> -> memref<128xf32, #tpu.memory_space<hbm>>
      %dma_wait3A_60 = tpu.memref_slice %arg2[%add3A_47] : memref<12288xf32, #tpu.memory_space<hbm>> -> memref<128xf32, #tpu.memory_space<hbm>>
      tpu.wait_dma2 semaphore(%run_scoped3A : memref<!tpu.dma_semaphore, #tpu.memory_space<semaphore_mem>>) src(%dma_wait3A_60 : memref<128xf32, #tpu.memory_space<hbm>>) dst(%arg9 : memref<128xf32, #tpu.memory_space<vmem>>)
      tpu.yield
    }) : () -> ()
    %add3A_48 = arith.constant 4096 : i32
    %add3A_49 = arith.addi %add3A_41, %add3A_48 : i32
    "tpu.region"() ({
      %run_scoped3A = tpu.sem_alloc : memref<!tpu.dma_semaphore, #tpu.memory_space<semaphore_mem>>
      %dma_start3A = tpu.memref_slice %arg2[%add3A_49] : memref<12288xf32, #tpu.memory_space<hbm>> -> memref<128xf32, #tpu.memory_space<hbm>>
      %dma_start3A_59 = tpu.memref_slice %arg2[%add3A_49] : memref<12288xf32, #tpu.memory_space<hbm>> -> memref<128xf32, #tpu.memory_space<hbm>>
      tpu.enqueue_dma source(%dma_start3A_59 : memref<128xf32, #tpu.memory_space<hbm>>) target(%arg10 : memref<128xf32, #tpu.memory_space<vmem>>) target_semaphore(%run_scoped3A : memref<!tpu.dma_semaphore, #tpu.memory_space<semaphore_mem>>)
      %dma_wait3A = tpu.memref_slice %arg2[%add3A_49] : memref<12288xf32, #tpu.memory_space<hbm>> -> memref<128xf32, #tpu.memory_space<hbm>>
      %dma_wait3A_60 = tpu.memref_slice %arg2[%add3A_49] : memref<12288xf32, #tpu.memory_space<hbm>> -> memref<128xf32, #tpu.memory_space<hbm>>
      tpu.wait_dma2 semaphore(%run_scoped3A : memref<!tpu.dma_semaphore, #tpu.memory_space<semaphore_mem>>) src(%dma_wait3A_60 : memref<128xf32, #tpu.memory_space<hbm>>) dst(%arg10 : memref<128xf32, #tpu.memory_space<vmem>>)
      tpu.yield
    }) : () -> ()
    %scan3A = arith.constant 0 : i32
    %scan3A_50 = arith.constant 0 : i32
    %scan3A_51 = arith.constant 8 : i32
    %scan3A_52 = arith.addi %scan3A_50, %scan3A_51 : i32
    %scan3A_53 = arith.constant 1 : i32
    %scan3A_54 = scf.for %scan3A_59 = %scan3A_50 to %scan3A_52 step %scan3A_53 iter_args(%scan3A_60 = %scan3A) -> (i32)  : i32 {
      %mul3A_61 = arith.constant 16 : i32
      %mul3A_62 = arith.muli %scan3A_59, %mul3A_61 : i32
      %get3A = arith.index_cast %mul3A_62 : i32 to index
      %get3A_63 = tpu.vector_load %arg8[%get3A] {strides = array<i32>} : memref<128xf32, #tpu.memory_space<vmem>>, vector<16xf32>,
      %get3A_64 = vector.shape_cast %get3A_63 : vector<16xf32> to vector<16xf32>
      %get3A_65 = arith.index_cast %mul3A_62 : i32 to index
      %get3A_66 = tpu.vector_load %arg9[%get3A_65] {strides = array<i32>} : memref<128xf32, #tpu.memory_space<vmem>>, vector<16xf32>,
      %get3A_67 = vector.shape_cast %get3A_66 : vector<16xf32> to vector<16xf32>
      %get3A_68 = arith.index_cast %mul3A_62 : i32 to index
      %get3A_69 = tpu.vector_load %arg10[%get3A_68] {strides = array<i32>} : memref<128xf32, #tpu.memory_space<vmem>>, vector<16xf32>,
      %get3A_70 = vector.shape_cast %get3A_69 : vector<16xf32> to vector<16xf32>
      %broadcast_in_dim3A = arith.constant 3.400000e+38 : f32
      %broadcast_in_dim3A_71 = vector.broadcast %broadcast_in_dim3A : f32 to vector<16xf32>
      %scan3A_72 = arith.constant 0 : i32
      %scan3A_73 = arith.constant 128 : i32
      %scan3A_74 = arith.addi %scan3A_72, %scan3A_73 : i32
      %scan3A_75 = arith.constant 1 : i32
      %scan3A_76 = scf.for %scan3A_82 = %scan3A_72 to %scan3A_74 step %scan3A_75 iter_args(%scan3A_83 = %broadcast_in_dim3A_71) -> (vector<16xf32>)  : i32 {
        %mul3A_84 = arith.constant 16 : i32
        %mul3A_85 = arith.muli %scan3A_82, %mul3A_84 : i32
        %get3A_86 = arith.index_cast %mul3A_85 : i32 to index
        %get3A_87 = tpu.vector_load %arg5[%get3A_86] {strides = array<i32>} : memref<2048xf32, #tpu.memory_space<vmem>>, vector<16xf32>,
        %get3A_88 = vector.shape_cast %get3A_87 : vector<16xf32> to vector<16xf32>
        %get3A_89 = arith.index_cast %mul3A_85 : i32 to index
        %get3A_90 = tpu.vector_load %arg6[%get3A_89] {strides = array<i32>} : memref<2048xf32, #tpu.memory_space<vmem>>, vector<16xf32>,
        %get3A_91 = vector.shape_cast %get3A_90 : vector<16xf32> to vector<16xf32>
        %get3A_92 = arith.index_cast %mul3A_85 : i32 to index
        %get3A_93 = tpu.vector_load %arg7[%get3A_92] {strides = array<i32>} : memref<2048xf32, #tpu.memory_space<vmem>>, vector<16xf32>,
        %get3A_94 = vector.shape_cast %get3A_93 : vector<16xf32> to vector<16xf32>
        %slice3A = vector.extract_strided_slice %get3A_88 {offsets = [0], sizes = [1], strides = [1]} : vector<16xf32> to vector<1xf32>
        %squeeze3A = vector.extract %slice3A[0] : f32 from vector<1xf32>
        %broadcast_in_dim3A_95 = vector.broadcast %squeeze3A : f32 to vector<16xf32>
        %sub3A_96 = arith.subf %get3A_64, %broadcast_in_dim3A_95 : vector<16xf32>
        %slice3A_97 = vector.extract_strided_slice %get3A_91 {offsets = [0], sizes = [1], strides = [1]} : vector<16xf32> to vector<1xf32>
        %squeeze3A_98 = vector.extract %slice3A_97[0] : f32 from vector<1xf32>
        %broadcast_in_dim3A_99 = vector.broadcast %squeeze3A_98 : f32 to vector<16xf32>
        %sub3A_100 = arith.subf %get3A_67, %broadcast_in_dim3A_99 : vector<16xf32>
        %slice3A_101 = vector.extract_strided_slice %get3A_94 {offsets = [0], sizes = [1], strides = [1]} : vector<16xf32> to vector<1xf32>
        %squeeze3A_102 = vector.extract %slice3A_101[0] : f32 from vector<1xf32>
        %broadcast_in_dim3A_103 = vector.broadcast %squeeze3A_102 : f32 to vector<16xf32>
        %sub3A_104 = arith.subf %get3A_70, %broadcast_in_dim3A_103 : vector<16xf32>
        %mul3A_105 = arith.mulf %sub3A_96, %sub3A_96 : vector<16xf32>
        %mul3A_106 = arith.mulf %sub3A_100, %sub3A_100 : vector<16xf32>
        %add3A_107 = arith.addf %mul3A_105, %mul3A_106 : vector<16xf32>
        %mul3A_108 = arith.mulf %sub3A_104, %sub3A_104 : vector<16xf32>
        %add3A_109 = arith.addf %add3A_107, %mul3A_108 : vector<16xf32>
        %min3A = arith.minimumf %scan3A_83, %add3A_109 : vector<16xf32>
        %slice3A_110 = vector.extract_strided_slice %get3A_88 {offsets = [1], sizes = [1], strides = [1]} : vector<16xf32> to vector<1xf32>
        %squeeze3A_111 = vector.extract %slice3A_110[0] : f32 from vector<1xf32>
        %broadcast_in_dim3A_112 = vector.broadcast %squeeze3A_111 : f32 to vector<16xf32>
        %sub3A_113 = arith.subf %get3A_64, %broadcast_in_dim3A_112 : vector<16xf32>
        %slice3A_114 = vector.extract_strided_slice %get3A_91 {offsets = [1], sizes = [1], strides = [1]} : vector<16xf32> to vector<1xf32>
        %squeeze3A_115 = vector.extract %slice3A_114[0] : f32 from vector<1xf32>
        %broadcast_in_dim3A_116 = vector.broadcast %squeeze3A_115 : f32 to vector<16xf32>
        %sub3A_117 = arith.subf %get3A_67, %broadcast_in_dim3A_116 : vector<16xf32>
        %slice3A_118 = vector.extract_strided_slice %get3A_94 {offsets = [1], sizes = [1], strides = [1]} : vector<16xf32> to vector<1xf32>
        %squeeze3A_119 = vector.extract %slice3A_118[0] : f32 from vector<1xf32>
        %broadcast_in_dim3A_120 = vector.broadcast %squeeze3A_119 : f32 to vector<16xf32>
        %sub3A_121 = arith.subf %get3A_70, %broadcast_in_dim3A_120 : vector<16xf32>
        %mul3A_122 = arith.mulf %sub3A_113, %sub3A_113 : vector<16xf32>
        %mul3A_123 = arith.mulf %sub3A_117, %sub3A_117 : vector<16xf32>
        %add3A_124 = arith.addf %mul3A_122, %mul3A_123 : vector<16xf32>
        %mul3A_125 = arith.mulf %sub3A_121, %sub3A_121 : vector<16xf32>
        %add3A_126 = arith.addf %add3A_124, %mul3A_125 : vector<16xf32>
        %min3A_127 = arith.minimumf %min3A, %add3A_126 : vector<16xf32>
        %slice3A_128 = vector.extract_strided_slice %get3A_88 {offsets = [2], sizes = [1], strides = [1]} : vector<16xf32> to vector<1xf32>
        %squeeze3A_129 = vector.extract %slice3A_128[0] : f32 from vector<1xf32>
        %broadcast_in_dim3A_130 = vector.broadcast %squeeze3A_129 : f32 to vector<16xf32>
        %sub3A_131 = arith.subf %get3A_64, %broadcast_in_dim3A_130 : vector<16xf32>
        %slice3A_132 = vector.extract_strided_slice %get3A_91 {offsets = [2], sizes = [1], strides = [1]} : vector<16xf32> to vector<1xf32>
        %squeeze3A_133 = vector.extract %slice3A_132[0] : f32 from vector<1xf32>
        %broadcast_in_dim3A_134 = vector.broadcast %squeeze3A_133 : f32 to vector<16xf32>
        %sub3A_135 = arith.subf %get3A_67, %broadcast_in_dim3A_134 : vector<16xf32>
        %slice3A_136 = vector.extract_strided_slice %get3A_94 {offsets = [2], sizes = [1], strides = [1]} : vector<16xf32> to vector<1xf32>
        %squeeze3A_137 = vector.extract %slice3A_136[0] : f32 from vector<1xf32>
        %broadcast_in_dim3A_138 = vector.broadcast %squeeze3A_137 : f32 to vector<16xf32>
        %sub3A_139 = arith.subf %get3A_70, %broadcast_in_dim3A_138 : vector<16xf32>
        %mul3A_140 = arith.mulf %sub3A_131, %sub3A_131 : vector<16xf32>
        %mul3A_141 = arith.mulf %sub3A_135, %sub3A_135 : vector<16xf32>
        %add3A_142 = arith.addf %mul3A_140, %mul3A_141 : vector<16xf32>
        %mul3A_143 = arith.mulf %sub3A_139, %sub3A_139 : vector<16xf32>
        %add3A_144 = arith.addf %add3A_142, %mul3A_143 : vector<16xf32>
        %min3A_145 = arith.minimumf %min3A_127, %add3A_144 : vector<16xf32>
        %slice3A_146 = vector.extract_strided_slice %get3A_88 {offsets = [3], sizes = [1], strides = [1]} : vector<16xf32> to vector<1xf32>
        %squeeze3A_147 = vector.extract %slice3A_146[0] : f32 from vector<1xf32>
        %broadcast_in_dim3A_148 = vector.broadcast %squeeze3A_147 : f32 to vector<16xf32>
        %sub3A_149 = arith.subf %get3A_64, %broadcast_in_dim3A_148 : vector<16xf32>
        %slice3A_150 = vector.extract_strided_slice %get3A_91 {offsets = [3], sizes = [1], strides = [1]} : vector<16xf32> to vector<1xf32>
        %squeeze3A_151 = vector.extract %slice3A_150[0] : f32 from vector<1xf32>
        %broadcast_in_dim3A_152 = vector.broadcast %squeeze3A_151 : f32 to vector<16xf32>
        %sub3A_153 = arith.subf %get3A_67, %broadcast_in_dim3A_152 : vector<16xf32>
        %slice3A_154 = vector.extract_strided_slice %get3A_94 {offsets = [3], sizes = [1], strides = [1]} : vector<16xf32> to vector<1xf32>
        %squeeze3A_155 = vector.extract %slice3A_154[0] : f32 from vector<1xf32>
        %broadcast_in_dim3A_156 = vector.broadcast %squeeze3A_155 : f32 to vector<16xf32>
        %sub3A_157 = arith.subf %get3A_70, %broadcast_in_dim3A_156 : vector<16xf32>
        %mul3A_158 = arith.mulf %sub3A_149, %sub3A_149 : vector<16xf32>
        %mul3A_159 = arith.mulf %sub3A_153, %sub3A_153 : vector<16xf32>
        %add3A_160 = arith.addf %mul3A_158, %mul3A_159 : vector<16xf32>
        %mul3A_161 = arith.mulf %sub3A_157, %sub3A_157 : vector<16xf32>
        %add3A_162 = arith.addf %add3A_160, %mul3A_161 : vector<16xf32>
        %min3A_163 = arith.minimumf %min3A_145, %add3A_162 : vector<16xf32>
        %slice3A_164 = vector.extract_strided_slice %get3A_88 {offsets = [4], sizes = [1], strides = [1]} : vector<16xf32> to vector<1xf32>
        %squeeze3A_165 = vector.extract %slice3A_164[0] : f32 from vector<1xf32>
        %broadcast_in_dim3A_166 = vector.broadcast %squeeze3A_165 : f32 to vector<16xf32>
        %sub3A_167 = arith.subf %get3A_64, %broadcast_in_dim3A_166 : vector<16xf32>
        %slice3A_168 = vector.extract_strided_slice %get3A_91 {offsets = [4], sizes = [1], strides = [1]} : vector<16xf32> to vector<1xf32>
        %squeeze3A_169 = vector.extract %slice3A_168[0] : f32 from vector<1xf32>
        %broadcast_in_dim3A_170 = vector.broadcast %squeeze3A_169 : f32 to vector<16xf32>
        %sub3A_171 = arith.subf %get3A_67, %broadcast_in_dim3A_170 : vector<16xf32>
        %slice3A_172 = vector.extract_strided_slice %get3A_94 {offsets = [4], sizes = [1], strides = [1]} : vector<16xf32> to vector<1xf32>
        %squeeze3A_173 = vector.extract %slice3A_172[0] : f32 from vector<1xf32>
        %broadcast_in_dim3A_174 = vector.broadcast %squeeze3A_173 : f32 to vector<16xf32>
        %sub3A_175 = arith.subf %get3A_70, %broadcast_in_dim3A_174 : vector<16xf32>
        %mul3A_176 = arith.mulf %sub3A_167, %sub3A_167 : vector<16xf32>
        %mul3A_177 = arith.mulf %sub3A_171, %sub3A_171 : vector<16xf32>
        %add3A_178 = arith.addf %mul3A_176, %mul3A_177 : vector<16xf32>
        %mul3A_179 = arith.mulf %sub3A_175, %sub3A_175 : vector<16xf32>
        %add3A_180 = arith.addf %add3A_178, %mul3A_179 : vector<16xf32>
        %min3A_181 = arith.minimumf %min3A_163, %add3A_180 : vector<16xf32>
        %slice3A_182 = vector.extract_strided_slice %get3A_88 {offsets = [5], sizes = [1], strides = [1]} : vector<16xf32> to vector<1xf32>
        %squeeze3A_183 = vector.extract %slice3A_182[0] : f32 from vector<1xf32>
        %broadcast_in_dim3A_184 = vector.broadcast %squeeze3A_183 : f32 to vector<16xf32>
        %sub3A_185 = arith.subf %get3A_64, %broadcast_in_dim3A_184 : vector<16xf32>
        %slice3A_186 = vector.extract_strided_slice %get3A_91 {offsets = [5], sizes = [1], strides = [1]} : vector<16xf32> to vector<1xf32>
        %squeeze3A_187 = vector.extract %slice3A_186[0] : f32 from vector<1xf32>
        %broadcast_in_dim3A_188 = vector.broadcast %squeeze3A_187 : f32 to vector<16xf32>
        %sub3A_189 = arith.subf %get3A_67, %broadcast_in_dim3A_188 : vector<16xf32>
        %slice3A_190 = vector.extract_strided_slice %get3A_94 {offsets = [5], sizes = [1], strides = [1]} : vector<16xf32> to vector<1xf32>
        %squeeze3A_191 = vector.extract %slice3A_190[0] : f32 from vector<1xf32>
        %broadcast_in_dim3A_192 = vector.broadcast %squeeze3A_191 : f32 to vector<16xf32>
        %sub3A_193 = arith.subf %get3A_70, %broadcast_in_dim3A_192 : vector<16xf32>
        %mul3A_194 = arith.mulf %sub3A_185, %sub3A_185 : vector<16xf32>
        %mul3A_195 = arith.mulf %sub3A_189, %sub3A_189 : vector<16xf32>
        %add3A_196 = arith.addf %mul3A_194, %mul3A_195 : vector<16xf32>
        %mul3A_197 = arith.mulf %sub3A_193, %sub3A_193 : vector<16xf32>
        %add3A_198 = arith.addf %add3A_196, %mul3A_197 : vector<16xf32>
        %min3A_199 = arith.minimumf %min3A_181, %add3A_198 : vector<16xf32>
        %slice3A_200 = vector.extract_strided_slice %get3A_88 {offsets = [6], sizes = [1], strides = [1]} : vector<16xf32> to vector<1xf32>
        %squeeze3A_201 = vector.extract %slice3A_200[0] : f32 from vector<1xf32>
        %broadcast_in_dim3A_202 = vector.broadcast %squeeze3A_201 : f32 to vector<16xf32>
        %sub3A_203 = arith.subf %get3A_64, %broadcast_in_dim3A_202 : vector<16xf32>
        %slice3A_204 = vector.extract_strided_slice %get3A_91 {offsets = [6], sizes = [1], strides = [1]} : vector<16xf32> to vector<1xf32>
        %squeeze3A_205 = vector.extract %slice3A_204[0] : f32 from vector<1xf32>
        %broadcast_in_dim3A_206 = vector.broadcast %squeeze3A_205 : f32 to vector<16xf32>
        %sub3A_207 = arith.subf %get3A_67, %broadcast_in_dim3A_206 : vector<16xf32>
        %slice3A_208 = vector.extract_strided_slice %get3A_94 {offsets = [6], sizes = [1], strides = [1]} : vector<16xf32> to vector<1xf32>
        %squeeze3A_209 = vector.extract %slice3A_208[0] : f32 from vector<1xf32>
        %broadcast_in_dim3A_210 = vector.broadcast %squeeze3A_209 : f32 to vector<16xf32>
        %sub3A_211 = arith.subf %get3A_70, %broadcast_in_dim3A_210 : vector<16xf32>
        %mul3A_212 = arith.mulf %sub3A_203, %sub3A_203 : vector<16xf32>
        %mul3A_213 = arith.mulf %sub3A_207, %sub3A_207 : vector<16xf32>
        %add3A_214 = arith.addf %mul3A_212, %mul3A_213 : vector<16xf32>
        %mul3A_215 = arith.mulf %sub3A_211, %sub3A_211 : vector<16xf32>
        %add3A_216 = arith.addf %add3A_214, %mul3A_215 : vector<16xf32>
        %min3A_217 = arith.minimumf %min3A_199, %add3A_216 : vector<16xf32>
        %slice3A_218 = vector.extract_strided_slice %get3A_88 {offsets = [7], sizes = [1], strides = [1]} : vector<16xf32> to vector<1xf32>
        %squeeze3A_219 = vector.extract %slice3A_218[0] : f32 from vector<1xf32>
        %broadcast_in_dim3A_220 = vector.broadcast %squeeze3A_219 : f32 to vector<16xf32>
        %sub3A_221 = arith.subf %get3A_64, %broadcast_in_dim3A_220 : vector<16xf32>
        %slice3A_222 = vector.extract_strided_slice %get3A_91 {offsets = [7], sizes = [1], strides = [1]} : vector<16xf32> to vector<1xf32>
        %squeeze3A_223 = vector.extract %slice3A_222[0] : f32 from vector<1xf32>
        %broadcast_in_dim3A_224 = vector.broadcast %squeeze3A_223 : f32 to vector<16xf32>
        %sub3A_225 = arith.subf %get3A_67, %broadcast_in_dim3A_224 : vector<16xf32>
        %slice3A_226 = vector.extract_strided_slice %get3A_94 {offsets = [7], sizes = [1], strides = [1]} : vector<16xf32> to vector<1xf32>
        %squeeze3A_227 = vector.extract %slice3A_226[0] : f32 from vector<1xf32>
        %broadcast_in_dim3A_228 = vector.broadcast %squeeze3A_227 : f32 to vector<16xf32>
        %sub3A_229 = arith.subf %get3A_70, %broadcast_in_dim3A_228 : vector<16xf32>
        %mul3A_230 = arith.mulf %sub3A_221, %sub3A_221 : vector<16xf32>
        %mul3A_231 = arith.mulf %sub3A_225, %sub3A_225 : vector<16xf32>
        %add3A_232 = arith.addf %mul3A_230, %mul3A_231 : vector<16xf32>
        %mul3A_233 = arith.mulf %sub3A_229, %sub3A_229 : vector<16xf32>
        %add3A_234 = arith.addf %add3A_232, %mul3A_233 : vector<16xf32>
        %min3A_235 = arith.minimumf %min3A_217, %add3A_234 : vector<16xf32>
        %slice3A_236 = vector.extract_strided_slice %get3A_88 {offsets = [8], sizes = [1], strides = [1]} : vector<16xf32> to vector<1xf32>
        %squeeze3A_237 = vector.extract %slice3A_236[0] : f32 from vector<1xf32>
        %broadcast_in_dim3A_238 = vector.broadcast %squeeze3A_237 : f32 to vector<16xf32>
        %sub3A_239 = arith.subf %get3A_64, %broadcast_in_dim3A_238 : vector<16xf32>
        %slice3A_240 = vector.extract_strided_slice %get3A_91 {offsets = [8], sizes = [1], strides = [1]} : vector<16xf32> to vector<1xf32>
        %squeeze3A_241 = vector.extract %slice3A_240[0] : f32 from vector<1xf32>
        %broadcast_in_dim3A_242 = vector.broadcast %squeeze3A_241 : f32 to vector<16xf32>
        %sub3A_243 = arith.subf %get3A_67, %broadcast_in_dim3A_242 : vector<16xf32>
        %slice3A_244 = vector.extract_strided_slice %get3A_94 {offsets = [8], sizes = [1], strides = [1]} : vector<16xf32> to vector<1xf32>
        %squeeze3A_245 = vector.extract %slice3A_244[0] : f32 from vector<1xf32>
        %broadcast_in_dim3A_246 = vector.broadcast %squeeze3A_245 : f32 to vector<16xf32>
        %sub3A_247 = arith.subf %get3A_70, %broadcast_in_dim3A_246 : vector<16xf32>
        %mul3A_248 = arith.mulf %sub3A_239, %sub3A_239 : vector<16xf32>
        %mul3A_249 = arith.mulf %sub3A_243, %sub3A_243 : vector<16xf32>
        %add3A_250 = arith.addf %mul3A_248, %mul3A_249 : vector<16xf32>
        %mul3A_251 = arith.mulf %sub3A_247, %sub3A_247 : vector<16xf32>
        %add3A_252 = arith.addf %add3A_250, %mul3A_251 : vector<16xf32>
        %min3A_253 = arith.minimumf %min3A_235, %add3A_252 : vector<16xf32>
        %slice3A_254 = vector.extract_strided_slice %get3A_88 {offsets = [9], sizes = [1], strides = [1]} : vector<16xf32> to vector<1xf32>
        %squeeze3A_255 = vector.extract %slice3A_254[0] : f32 from vector<1xf32>
        %broadcast_in_dim3A_256 = vector.broadcast %squeeze3A_255 : f32 to vector<16xf32>
        %sub3A_257 = arith.subf %get3A_64, %broadcast_in_dim3A_256 : vector<16xf32>
        %slice3A_258 = vector.extract_strided_slice %get3A_91 {offsets = [9], sizes = [1], strides = [1]} : vector<16xf32> to vector<1xf32>
        %squeeze3A_259 = vector.extract %slice3A_258[0] : f32 from vector<1xf32>
        %broadcast_in_dim3A_260 = vector.broadcast %squeeze3A_259 : f32 to vector<16xf32>
        %sub3A_261 = arith.subf %get3A_67, %broadcast_in_dim3A_260 : vector<16xf32>
        %slice3A_262 = vector.extract_strided_slice %get3A_94 {offsets = [9], sizes = [1], strides = [1]} : vector<16xf32> to vector<1xf32>
        %squeeze3A_263 = vector.extract %slice3A_262[0] : f32 from vector<1xf32>
        %broadcast_in_dim3A_264 = vector.broadcast %squeeze3A_263 : f32 to vector<16xf32>
        %sub3A_265 = arith.subf %get3A_70, %broadcast_in_dim3A_264 : vector<16xf32>
        %mul3A_266 = arith.mulf %sub3A_257, %sub3A_257 : vector<16xf32>
        %mul3A_267 = arith.mulf %sub3A_261, %sub3A_261 : vector<16xf32>
        %add3A_268 = arith.addf %mul3A_266, %mul3A_267 : vector<16xf32>
        %mul3A_269 = arith.mulf %sub3A_265, %sub3A_265 : vector<16xf32>
        %add3A_270 = arith.addf %add3A_268, %mul3A_269 : vector<16xf32>
        %min3A_271 = arith.minimumf %min3A_253, %add3A_270 : vector<16xf32>
        %slice3A_272 = vector.extract_strided_slice %get3A_88 {offsets = [10], sizes = [1], strides = [1]} : vector<16xf32> to vector<1xf32>
        %squeeze3A_273 = vector.extract %slice3A_272[0] : f32 from vector<1xf32>
        %broadcast_in_dim3A_274 = vector.broadcast %squeeze3A_273 : f32 to vector<16xf32>
        %sub3A_275 = arith.subf %get3A_64, %broadcast_in_dim3A_274 : vector<16xf32>
        %slice3A_276 = vector.extract_strided_slice %get3A_91 {offsets = [10], sizes = [1], strides = [1]} : vector<16xf32> to vector<1xf32>
        %squeeze3A_277 = vector.extract %slice3A_276[0] : f32 from vector<1xf32>
        %broadcast_in_dim3A_278 = vector.broadcast %squeeze3A_277 : f32 to vector<16xf32>
        %sub3A_279 = arith.subf %get3A_67, %broadcast_in_dim3A_278 : vector<16xf32>
        %slice3A_280 = vector.extract_strided_slice %get3A_94 {offsets = [10], sizes = [1], strides = [1]} : vector<16xf32> to vector<1xf32>
        %squeeze3A_281 = vector.extract %slice3A_280[0] : f32 from vector<1xf32>
        %broadcast_in_dim3A_282 = vector.broadcast %squeeze3A_281 : f32 to vector<16xf32>
        %sub3A_283 = arith.subf %get3A_70, %broadcast_in_dim3A_282 : vector<16xf32>
        %mul3A_284 = arith.mulf %sub3A_275, %sub3A_275 : vector<16xf32>
        %mul3A_285 = arith.mulf %sub3A_279, %sub3A_279 : vector<16xf32>
        %add3A_286 = arith.addf %mul3A_284, %mul3A_285 : vector<16xf32>
        %mul3A_287 = arith.mulf %sub3A_283, %sub3A_283 : vector<16xf32>
        %add3A_288 = arith.addf %add3A_286, %mul3A_287 : vector<16xf32>
        %min3A_289 = arith.minimumf %min3A_271, %add3A_288 : vector<16xf32>
        %slice3A_290 = vector.extract_strided_slice %get3A_88 {offsets = [11], sizes = [1], strides = [1]} : vector<16xf32> to vector<1xf32>
        %squeeze3A_291 = vector.extract %slice3A_290[0] : f32 from vector<1xf32>
        %broadcast_in_dim3A_292 = vector.broadcast %squeeze3A_291 : f32 to vector<16xf32>
        %sub3A_293 = arith.subf %get3A_64, %broadcast_in_dim3A_292 : vector<16xf32>
        %slice3A_294 = vector.extract_strided_slice %get3A_91 {offsets = [11], sizes = [1], strides = [1]} : vector<16xf32> to vector<1xf32>
        %squeeze3A_295 = vector.extract %slice3A_294[0] : f32 from vector<1xf32>
        %broadcast_in_dim3A_296 = vector.broadcast %squeeze3A_295 : f32 to vector<16xf32>
        %sub3A_297 = arith.subf %get3A_67, %broadcast_in_dim3A_296 : vector<16xf32>
        %slice3A_298 = vector.extract_strided_slice %get3A_94 {offsets = [11], sizes = [1], strides = [1]} : vector<16xf32> to vector<1xf32>
        %squeeze3A_299 = vector.extract %slice3A_298[0] : f32 from vector<1xf32>
        %broadcast_in_dim3A_300 = vector.broadcast %squeeze3A_299 : f32 to vector<16xf32>
        %sub3A_301 = arith.subf %get3A_70, %broadcast_in_dim3A_300 : vector<16xf32>
        %mul3A_302 = arith.mulf %sub3A_293, %sub3A_293 : vector<16xf32>
        %mul3A_303 = arith.mulf %sub3A_297, %sub3A_297 : vector<16xf32>
        %add3A_304 = arith.addf %mul3A_302, %mul3A_303 : vector<16xf32>
        %mul3A_305 = arith.mulf %sub3A_301, %sub3A_301 : vector<16xf32>
        %add3A_306 = arith.addf %add3A_304, %mul3A_305 : vector<16xf32>
        %min3A_307 = arith.minimumf %min3A_289, %add3A_306 : vector<16xf32>
        %slice3A_308 = vector.extract_strided_slice %get3A_88 {offsets = [12], sizes = [1], strides = [1]} : vector<16xf32> to vector<1xf32>
        %squeeze3A_309 = vector.extract %slice3A_308[0] : f32 from vector<1xf32>
        %broadcast_in_dim3A_310 = vector.broadcast %squeeze3A_309 : f32 to vector<16xf32>
        %sub3A_311 = arith.subf %get3A_64, %broadcast_in_dim3A_310 : vector<16xf32>
        %slice3A_312 = vector.extract_strided_slice %get3A_91 {offsets = [12], sizes = [1], strides = [1]} : vector<16xf32> to vector<1xf32>
        %squeeze3A_313 = vector.extract %slice3A_312[0] : f32 from vector<1xf32>
        %broadcast_in_dim3A_314 = vector.broadcast %squeeze3A_313 : f32 to vector<16xf32>
        %sub3A_315 = arith.subf %get3A_67, %broadcast_in_dim3A_314 : vector<16xf32>
        %slice3A_316 = vector.extract_strided_slice %get3A_94 {offsets = [12], sizes = [1], strides = [1]} : vector<16xf32> to vector<1xf32>
        %squeeze3A_317 = vector.extract %slice3A_316[0] : f32 from vector<1xf32>
        %broadcast_in_dim3A_318 = vector.broadcast %squeeze3A_317 : f32 to vector<16xf32>
        %sub3A_319 = arith.subf %get3A_70, %broadcast_in_dim3A_318 : vector<16xf32>
        %mul3A_320 = arith.mulf %sub3A_311, %sub3A_311 : vector<16xf32>
        %mul3A_321 = arith.mulf %sub3A_315, %sub3A_315 : vector<16xf32>
        %add3A_322 = arith.addf %mul3A_320, %mul3A_321 : vector<16xf32>
        %mul3A_323 = arith.mulf %sub3A_319, %sub3A_319 : vector<16xf32>
        %add3A_324 = arith.addf %add3A_322, %mul3A_323 : vector<16xf32>
        %min3A_325 = arith.minimumf %min3A_307, %add3A_324 : vector<16xf32>
        %slice3A_326 = vector.extract_strided_slice %get3A_88 {offsets = [13], sizes = [1], strides = [1]} : vector<16xf32> to vector<1xf32>
        %squeeze3A_327 = vector.extract %slice3A_326[0] : f32 from vector<1xf32>
        %broadcast_in_dim3A_328 = vector.broadcast %squeeze3A_327 : f32 to vector<16xf32>
        %sub3A_329 = arith.subf %get3A_64, %broadcast_in_dim3A_328 : vector<16xf32>
        %slice3A_330 = vector.extract_strided_slice %get3A_91 {offsets = [13], sizes = [1], strides = [1]} : vector<16xf32> to vector<1xf32>
        %squeeze3A_331 = vector.extract %slice3A_330[0] : f32 from vector<1xf32>
        %broadcast_in_dim3A_332 = vector.broadcast %squeeze3A_331 : f32 to vector<16xf32>
        %sub3A_333 = arith.subf %get3A_67, %broadcast_in_dim3A_332 : vector<16xf32>
        %slice3A_334 = vector.extract_strided_slice %get3A_94 {offsets = [13], sizes = [1], strides = [1]} : vector<16xf32> to vector<1xf32>
        %squeeze3A_335 = vector.extract %slice3A_334[0] : f32 from vector<1xf32>
        %broadcast_in_dim3A_336 = vector.broadcast %squeeze3A_335 : f32 to vector<16xf32>
        %sub3A_337 = arith.subf %get3A_70, %broadcast_in_dim3A_336 : vector<16xf32>
        %mul3A_338 = arith.mulf %sub3A_329, %sub3A_329 : vector<16xf32>
        %mul3A_339 = arith.mulf %sub3A_333, %sub3A_333 : vector<16xf32>
        %add3A_340 = arith.addf %mul3A_338, %mul3A_339 : vector<16xf32>
        %mul3A_341 = arith.mulf %sub3A_337, %sub3A_337 : vector<16xf32>
        %add3A_342 = arith.addf %add3A_340, %mul3A_341 : vector<16xf32>
        %min3A_343 = arith.minimumf %min3A_325, %add3A_342 : vector<16xf32>
        %slice3A_344 = vector.extract_strided_slice %get3A_88 {offsets = [14], sizes = [1], strides = [1]} : vector<16xf32> to vector<1xf32>
        %squeeze3A_345 = vector.extract %slice3A_344[0] : f32 from vector<1xf32>
        %broadcast_in_dim3A_346 = vector.broadcast %squeeze3A_345 : f32 to vector<16xf32>
        %sub3A_347 = arith.subf %get3A_64, %broadcast_in_dim3A_346 : vector<16xf32>
        %slice3A_348 = vector.extract_strided_slice %get3A_91 {offsets = [14], sizes = [1], strides = [1]} : vector<16xf32> to vector<1xf32>
        %squeeze3A_349 = vector.extract %slice3A_348[0] : f32 from vector<1xf32>
        %broadcast_in_dim3A_350 = vector.broadcast %squeeze3A_349 : f32 to vector<16xf32>
        %sub3A_351 = arith.subf %get3A_67, %broadcast_in_dim3A_350 : vector<16xf32>
        %slice3A_352 = vector.extract_strided_slice %get3A_94 {offsets = [14], sizes = [1], strides = [1]} : vector<16xf32> to vector<1xf32>
        %squeeze3A_353 = vector.extract %slice3A_352[0] : f32 from vector<1xf32>
        %broadcast_in_dim3A_354 = vector.broadcast %squeeze3A_353 : f32 to vector<16xf32>
        %sub3A_355 = arith.subf %get3A_70, %broadcast_in_dim3A_354 : vector<16xf32>
        %mul3A_356 = arith.mulf %sub3A_347, %sub3A_347 : vector<16xf32>
        %mul3A_357 = arith.mulf %sub3A_351, %sub3A_351 : vector<16xf32>
        %add3A_358 = arith.addf %mul3A_356, %mul3A_357 : vector<16xf32>
        %mul3A_359 = arith.mulf %sub3A_355, %sub3A_355 : vector<16xf32>
        %add3A_360 = arith.addf %add3A_358, %mul3A_359 : vector<16xf32>
        %min3A_361 = arith.minimumf %min3A_343, %add3A_360 : vector<16xf32>
        %slice3A_362 = vector.extract_strided_slice %get3A_88 {offsets = [15], sizes = [1], strides = [1]} : vector<16xf32> to vector<1xf32>
        %squeeze3A_363 = vector.extract %slice3A_362[0] : f32 from vector<1xf32>
        %broadcast_in_dim3A_364 = vector.broadcast %squeeze3A_363 : f32 to vector<16xf32>
        %sub3A_365 = arith.subf %get3A_64, %broadcast_in_dim3A_364 : vector<16xf32>
        %slice3A_366 = vector.extract_strided_slice %get3A_91 {offsets = [15], sizes = [1], strides = [1]} : vector<16xf32> to vector<1xf32>
        %squeeze3A_367 = vector.extract %slice3A_366[0] : f32 from vector<1xf32>
        %broadcast_in_dim3A_368 = vector.broadcast %squeeze3A_367 : f32 to vector<16xf32>
        %sub3A_369 = arith.subf %get3A_67, %broadcast_in_dim3A_368 : vector<16xf32>
        %slice3A_370 = vector.extract_strided_slice %get3A_94 {offsets = [15], sizes = [1], strides = [1]} : vector<16xf32> to vector<1xf32>
        %squeeze3A_371 = vector.extract %slice3A_370[0] : f32 from vector<1xf32>
        %broadcast_in_dim3A_372 = vector.broadcast %squeeze3A_371 : f32 to vector<16xf32>
        %sub3A_373 = arith.subf %get3A_70, %broadcast_in_dim3A_372 : vector<16xf32>
        %mul3A_374 = arith.mulf %sub3A_365, %sub3A_365 : vector<16xf32>
        %mul3A_375 = arith.mulf %sub3A_369, %sub3A_369 : vector<16xf32>
        %add3A_376 = arith.addf %mul3A_374, %mul3A_375 : vector<16xf32>
        %mul3A_377 = arith.mulf %sub3A_373, %sub3A_373 : vector<16xf32>
        %add3A_378 = arith.addf %add3A_376, %mul3A_377 : vector<16xf32>
        %min3A_379 = arith.minimumf %min3A_361, %add3A_378 : vector<16xf32>
        scf.yield %min3A_379 : vector<16xf32>
      }
      %scan3A_77 = arith.constant 128 : i32
      %swap3A = arith.index_cast %mul3A_62 : i32 to index
      %swap3A_78 = tpu.vector_load %arg11[%swap3A] {strides = array<i32>} : memref<128xf32, #tpu.memory_space<vmem>>, vector<16xf32>,
      %swap3A_79 = vector.shape_cast %swap3A_78 : vector<16xf32> to vector<16xf32>
      %swap3A_80 = vector.shape_cast %scan3A_76 : vector<16xf32> to vector<16xf32>
      tpu.vector_store %arg11[%swap3A], %swap3A_80 {strides = array<i32>} : memref<128xf32, #tpu.memory_space<vmem>>, vector<16xf32>,
      %scan3A_81 = arith.constant 0 : i32
      scf.yield %scan3A_81 : i32
    }
    %scan3A_55 = arith.constant 8 : i32
    %mul3A_56 = arith.constant 2048 : i32
    %mul3A_57 = arith.muli %select_n3A, %mul3A_56 : i32
    %add3A_58 = arith.addi %mul3A_57, %mul3A_32 : i32
    "tpu.region"() ({
      %run_scoped3A = tpu.sem_alloc : memref<!tpu.dma_semaphore, #tpu.memory_space<semaphore_mem>>
      %dma_start3A = tpu.memref_slice %arg4[%add3A_58] : memref<4096xf32, #tpu.memory_space<hbm>> -> memref<128xf32, #tpu.memory_space<hbm>>
      %dma_start3A_59 = tpu.memref_slice %arg4[%add3A_58] : memref<4096xf32, #tpu.memory_space<hbm>> -> memref<128xf32, #tpu.memory_space<hbm>>
      tpu.enqueue_dma source(%arg11 : memref<128xf32, #tpu.memory_space<vmem>>) target(%dma_start3A_59 : memref<128xf32, #tpu.memory_space<hbm>>) target_semaphore(%run_scoped3A : memref<!tpu.dma_semaphore, #tpu.memory_space<semaphore_mem>>)
      %dma_wait3A = tpu.memref_slice %arg4[%add3A_58] : memref<4096xf32, #tpu.memory_space<hbm>> -> memref<128xf32, #tpu.memory_space<hbm>>
      %dma_wait3A_60 = tpu.memref_slice %arg4[%add3A_58] : memref<4096xf32, #tpu.memory_space<hbm>> -> memref<128xf32, #tpu.memory_space<hbm>>
      tpu.wait_dma2 semaphore(%run_scoped3A : memref<!tpu.dma_semaphore, #tpu.memory_space<semaphore_mem>>) src(%arg11 : memref<128xf32, #tpu.memory_space<vmem>>) dst(%dma_wait3A_60 : memref<128xf32, #tpu.memory_space<hbm>>)
      tpu.yield
    }) : () -> ()
    return
  }
}

module attributes {stable_mosaic.version = 14 : i64} {
  func.func @_nnd_batch_kernel(%arg0: i32, %arg1: memref<1x2048x3xf32, #tpu.memory_space<vmem>>, %arg2: memref<1x2048x3xf32, #tpu.memory_space<vmem>>, %arg3: memref<1x1x2048xf32, #tpu.memory_space<vmem>>, %arg4: memref<1x1x2048xf32, #tpu.memory_space<vmem>>) attributes {dimension_semantics = [#tpu.dimension_semantics<arbitrary>], iteration_bounds = array<i64: 7>, scalar_prefetch = 0 : i64, scratch_operands = 0 : i64, tpu.core_type = #tpu.core_type<tc>, window_params = [{transform_indices = @transform_0, window_bounds = array<i64: 1, 2048, 3>}, {transform_indices = @transform_1, window_bounds = array<i64: 1, 2048, 3>}, {transform_indices = @transform_2, window_bounds = array<i64: 1, 1, 2048>}, {transform_indices = @transform_3, window_bounds = array<i64: 1, 1, 2048>}]} {
    %get3A = arith.constant 0 : index
    %get3A_0 = arith.constant 0 : index
    %get3A_1 = arith.constant 0 : index
    %get3A_2 = vector.load %arg1[%get3A, %get3A_0, %get3A_1] : memref<1x2048x3xf32, #tpu.memory_space<vmem>>, vector<1x2048x3xf32>
    %get3A_3 = vector.shape_cast %get3A_2 : vector<1x2048x3xf32> to vector<2048x3xf32>
    %get3A_4 = arith.constant 0 : index
    %get3A_5 = arith.constant 0 : index
    %get3A_6 = arith.constant 0 : index
    %get3A_7 = vector.load %arg2[%get3A_4, %get3A_5, %get3A_6] : memref<1x2048x3xf32, #tpu.memory_space<vmem>>, vector<1x2048x3xf32>
    %get3A_8 = vector.shape_cast %get3A_7 : vector<1x2048x3xf32> to vector<2048x3xf32>
    %mul3A = arith.mulf %get3A_3, %get3A_3 : vector<2048x3xf32>
    %reduce_sum3A = arith.constant dense<0.000000e+00> : vector<2048xf32>
    %reduce_sum3A_9 = vector.multi_reduction <add>, %mul3A, %reduce_sum3A [1] : vector<2048x3xf32> to vector<2048xf32>
    %broadcast_in_dim3A = vector.shape_cast %reduce_sum3A_9 : vector<2048xf32> to vector<2048x1xf32>
    %mul3A_10 = arith.mulf %get3A_8, %get3A_8 : vector<2048x3xf32>
    %reduce_sum3A_11 = arith.constant dense<0.000000e+00> : vector<2048xf32>
    %reduce_sum3A_12 = vector.multi_reduction <add>, %mul3A_10, %reduce_sum3A_11 [1] : vector<2048x3xf32> to vector<2048xf32>
    %broadcast_in_dim3A_13 = vector.shape_cast %reduce_sum3A_12 : vector<2048xf32> to vector<2048x1xf32>
    %mul3A_14 = arith.constant -2.000000e+00 : f32
    %mul3A_15 = vector.broadcast %mul3A_14 : f32 to vector<2048x3xf32>
    %mul3A_16 = arith.mulf %mul3A_15, %get3A_8 : vector<2048x3xf32>
    %convert_element_type3A = arith.truncf %get3A_3 : vector<2048x3xf32> to vector<2048x3xbf16>
    %convert_element_type3A_17 = arith.extf %convert_element_type3A : vector<2048x3xbf16> to vector<2048x3xf32>
    %sub3A = arith.subf %get3A_3, %convert_element_type3A_17 : vector<2048x3xf32>
    %convert_element_type3A_18 = arith.truncf %sub3A : vector<2048x3xf32> to vector<2048x3xbf16>
    %convert_element_type3A_19 = arith.truncf %mul3A_16 : vector<2048x3xf32> to vector<2048x3xbf16>
    %convert_element_type3A_20 = arith.extf %convert_element_type3A_19 : vector<2048x3xbf16> to vector<2048x3xf32>
    %sub3A_21 = arith.subf %mul3A_16, %convert_element_type3A_20 : vector<2048x3xf32>
    %convert_element_type3A_22 = arith.truncf %sub3A_21 : vector<2048x3xf32> to vector<2048x3xbf16>
    %convert_element_type3A_23 = arith.truncf %broadcast_in_dim3A : vector<2048x1xf32> to vector<2048x1xbf16>
    %convert_element_type3A_24 = arith.extf %convert_element_type3A_23 : vector<2048x1xbf16> to vector<2048x1xf32>
    %sub3A_25 = arith.subf %broadcast_in_dim3A, %convert_element_type3A_24 : vector<2048x1xf32>
    %convert_element_type3A_26 = arith.truncf %sub3A_25 : vector<2048x1xf32> to vector<2048x1xbf16>
    %convert_element_type3A_27 = arith.truncf %broadcast_in_dim3A_13 : vector<2048x1xf32> to vector<2048x1xbf16>
    %convert_element_type3A_28 = arith.extf %convert_element_type3A_27 : vector<2048x1xbf16> to vector<2048x1xf32>
    %sub3A_29 = arith.subf %broadcast_in_dim3A_13, %convert_element_type3A_28 : vector<2048x1xf32>
    %convert_element_type3A_30 = arith.truncf %sub3A_29 : vector<2048x1xf32> to vector<2048x1xbf16>
    %broadcast_in_dim3A_31 = arith.constant 1.000000e+00 : bf16
    %broadcast_in_dim3A_32 = vector.broadcast %broadcast_in_dim3A_31 : bf16 to vector<2048x1xbf16>
    %concatenate3A = tpu.concatenate %convert_element_type3A, %convert_element_type3A, %convert_element_type3A_18, %convert_element_type3A_23, %convert_element_type3A_26, %broadcast_in_dim3A_32, %broadcast_in_dim3A_32 in 1 : vector<2048x3xbf16>, vector<2048x3xbf16>, vector<2048x3xbf16>, vector<2048x1xbf16>, vector<2048x1xbf16>, vector<2048x1xbf16>, vector<2048x1xbf16> -> vector<2048x13xbf16>
    %concatenate3A_33 = tpu.concatenate %convert_element_type3A_19, %convert_element_type3A_22, %convert_element_type3A_19, %broadcast_in_dim3A_32, %broadcast_in_dim3A_32, %convert_element_type3A_27, %convert_element_type3A_30 in 1 : vector<2048x3xbf16>, vector<2048x3xbf16>, vector<2048x3xbf16>, vector<2048x1xbf16>, vector<2048x1xbf16>, vector<2048x1xbf16>, vector<2048x1xbf16> -> vector<2048x13xbf16>
    %dot_general3A = arith.constant dense<0.000000e+00> : vector<2048x2048xf32>
    %dot_general3A_34 = tpu.matmul %concatenate3A, %concatenate3A_33, %dot_general3A {dimension_numbers = #tpu.dot_dimension_numbers<[1], [1], [0], [0], [0, 0, 1, 0], [], []>, transpose_lhs_hint = false} : vector<2048x13xbf16>, vector<2048x13xbf16>, vector<2048x2048xf32> -> vector<2048x2048xf32>
    %reduce_min3A = arith.constant dense<0x7F800000> : vector<2048xf32>
    %reduce_min3A_35 = vector.multi_reduction <minimumf>, %dot_general3A_34, %reduce_min3A [1] : vector<2048x2048xf32> to vector<2048xf32>
    %swap3A = arith.constant 0 : index
    %swap3A_36 = arith.constant 0 : index
    %swap3A_37 = arith.constant 0 : index
    %swap3A_38 = vector.load %arg3[%swap3A, %swap3A_36, %swap3A_37] : memref<1x1x2048xf32, #tpu.memory_space<vmem>>, vector<1x1x2048xf32>
    %swap3A_39 = vector.shape_cast %swap3A_38 : vector<1x1x2048xf32> to vector<2048xf32>
    %swap3A_40 = vector.shape_cast %reduce_min3A_35 : vector<2048xf32> to vector<1x1x2048xf32>
    tpu.vector_store %arg3[%swap3A, %swap3A_36, %swap3A_37], %swap3A_40 {strides = array<i32>} : memref<1x1x2048xf32, #tpu.memory_space<vmem>>, vector<1x1x2048xf32>,
    %reduce_min3A_41 = arith.constant dense<0x7F800000> : vector<2048xf32>
    %reduce_min3A_42 = vector.multi_reduction <minimumf>, %dot_general3A_34, %reduce_min3A_41 [0] : vector<2048x2048xf32> to vector<2048xf32>
    %swap3A_43 = arith.constant 0 : index
    %swap3A_44 = arith.constant 0 : index
    %swap3A_45 = arith.constant 0 : index
    %swap3A_46 = vector.load %arg4[%swap3A_43, %swap3A_44, %swap3A_45] : memref<1x1x2048xf32, #tpu.memory_space<vmem>>, vector<1x1x2048xf32>
    %swap3A_47 = vector.shape_cast %swap3A_46 : vector<1x1x2048xf32> to vector<2048xf32>
    %swap3A_48 = vector.shape_cast %reduce_min3A_42 : vector<2048xf32> to vector<1x1x2048xf32>
    tpu.vector_store %arg4[%swap3A_43, %swap3A_44, %swap3A_45], %swap3A_48 {strides = array<i32>} : memref<1x1x2048xf32, #tpu.memory_space<vmem>>, vector<1x1x2048xf32>,
    return
  }
  func.func @transform_0(%arg0: i32) -> (i32, i32, i32) {
    %c0_i32 = arith.constant 0 : i32
    %c0_i32_0 = arith.constant 0 : i32
    %c0_i32_1 = arith.constant 0 : i32
    return %arg0, %c0_i32, %c0_i32_0 : i32, i32, i32
  }
  func.func @transform_1(%arg0: i32) -> (i32, i32, i32) {
    %c0_i32 = arith.constant 0 : i32
    %c0_i32_0 = arith.constant 0 : i32
    %c0_i32_1 = arith.constant 0 : i32
    return %arg0, %c0_i32, %c0_i32_0 : i32, i32, i32
  }
  func.func @transform_2(%arg0: i32) -> (i32, i32, i32) {
    %c0_i32 = arith.constant 0 : i32
    %c0_i32_0 = arith.constant 0 : i32
    %c0_i32_1 = arith.constant 0 : i32
    return %arg0, %c0_i32, %c0_i32_0 : i32, i32, i32
  }
  func.func @transform_3(%arg0: i32) -> (i32, i32, i32) {
    %c0_i32 = arith.constant 0 : i32
    %c0_i32_0 = arith.constant 0 : i32
    %c0_i32_1 = arith.constant 0 : i32
    return %arg0, %c0_i32, %c0_i32_0 : i32, i32, i32
  }
}

</mosaic_0001>

<sc_bundles>
// kernel: kernel.4.cloned.1.call-start
scs
__scs_entry_jumppad:
0x0: {  	(pc) =	sbr.rel $0x88, $3  }
0x1: {  	(tag) =	ssettag $0x0;
	lr =	simm.s32 $0x1  }
0x2: {  	[smem:$0x3F9F] =	sst lr;
	_ =	strace $0xD0000000  }
0x3: {  	_ = 	snop  }
0x4: {  	_ = 	snop  }
0x5: {  	_ = 	snop  }
0x6: {  	_ = 	snop  }
0x7: {  	_ = 	snop  }
__scs_overlays_trampoline_lowered:
0x8: {  	[smem:$0x3FAE] =	sst s0  }
0x9: {  	[smem:$0x3FAF] =	sst s1  }
0xa: {  	[smem:$0x3FB0] =	sst s2  }
0xb: {  	[smem:$0x3FB1] =	sst s3  }
0xc: {  	[smem:$0x3FB2] =	sst s4  }
0xd: {  	[smem:$0x3FB3] =	sst s5  }
0xe: {  	[smem:$0x3FB4] =	sst s6  }
0xf: {  	[smem:$0x3FB5] =	sst s7  }
0x10: {  	[smem:$0x3FB6] =	sst s8  }
0x11: {  	[smem:$0x3FB7] =	sst s9;
	s0 =	simm.s32 @!p0 $0x0  }
0x12: {  	s1 =	sld [smem:$0x3F9D];
	s0 =	simm.s32 @p0 $0x1  }
0x13: {  	[smem:$0x3FB8] =	sst s0;
	s0 =	simm.s32 @!p1 $0x0  }
0x14: {  	s2 =	sld [smem:$0x3F9C];
	s0 =	simm.s32 @p1 $0x1  }
0x15: {  	[smem:$0x3FB9] =	sst s0;
	s0 =	simm.s32 @!p2 $0x0  }
0x16: {  	s3 =	sld [smem:$0x3FDB];
	s0 =	simm.s32 @p2 $0x1  }
0x17: {  	s4 =	simm.s32 $0x1BF5;
	[smem:$0x3FBB] =	sst s0  }
0x18: {  	s0 =	sld [smem:$0x3F9E];
	_ =	swait.ge [sflag:s4], $0x0  }
0x19: {  	s7 =	sld [smem:$0x3F9F]  }
0x1a: {  	s8 =	sadd.s32 $0xFFFFE003, lr  }
0x1b: {  	s9 =	sadd.s32 $0xFFFFFEF7, lr;
	s5 =	simm.s32 $0xFFFFFFFF;
	p2 =	slt.u32 s8, $0xFFFFF086  }
0x1c: {  	p1 =	slt.u32 s9, $0xF7A;
	s5 =	simm.s32 @!p2 $0x0  }
0x1d: {  	s5 =	simm.s32 @p1 $0x1;
	p0 =	seq.s32 s7, s2  }
0x1e: {  	s7 =	smul.u32 @!p0 $0xF7A, s2;
	p2 =	seq.s32 @!p0 s5, $0x0  }
0x1f: {  	s9 =	smul.u32 $0xF7A, s1;
	s8 =	simm.s32 @!p0 $0x1BF5;
	p2 =	por !p2, p0  }
0x20: {  	[sflag:s8] =	ssyncset.s32 @!p0 $0xFFFFF086;
	s6 =	sadd.s32 @!p0 s3, s7;
	s7 =	simm.s32 @!p0 $0x108  }
0x21: {  	s3 =	sadd.s32 s3, s9;
	s6 =	sadd.s32 @!p0 $0x88, s6;
	s7 =	simm.s32 @p2 $0x1082  }
0x22: {  	[simem:s7], [sflag:s8] =	dma.local @!p0 [hbm:s6], $0xF7A  }
0x23: {  	s9 =	sor.u32 $0xD0000000, s2;
	s6 =	simm.s32 $0x108;
	_ =	swait.ge @!p0 [sflag:s8], $0x0  }
0x24: {  	s3 =	sadd.s32 $0x88, s3;
	s6 =	simm.s32 @!p1 $0x1082;
	[sflag:s4] =	ssyncset.s32 $0xFFFFF086  }
0x25: {  	[simem:s6], [sflag:s4] =	dma.local [hbm:s3], $0xF7A  }
0x26: {  	[smem:$0x3F9F] =	sst s1;
	(tag) =	ssettag s2;
	_ =	strace s9  }
0x27: {  	s1 =	sld [smem:$0x3FAF]  }
0x28: {  	s2 =	sld [smem:$0x3FB0]  }
0x29: {  	s4 =	sld [smem:$0x3FB2]  }
0x2a: {  	p0 =	seq.s32 s5, $0x0;
	s5 =	sld [smem:$0x3FB3]  }
0x2b: {  	s6 =	sld [smem:$0x3FB4]  }
0x2c: {  	s7 =	sld [smem:$0x3FB5]  }
0x2d: {  	s3 =	simm.s32 $0x108;
	s8 =	sld [smem:$0x3FB6]  }
0x2e: {  	s3 =	simm.s32 @!p0 $0x1082;
	s9 =	sld [smem:$0x3FB7]  }
0x2f: {  	lr =	sadd.s32 s0, s3;
	s0 =	sld [smem:$0x3FAE]  }
0x30: {  	s3 =	sld [smem:$0x3FB1]  }
0x31: {  	[smem:$0x3FBA] =	sst s10  }
0x32: {  	s10 =	sld [smem:$0x3FB8];
	_ =	sdelay $0x3  }
0x33: {  	p0 =	seq.s32 s10, $0x1;
	s10 =	sld [smem:$0x3FBA];
	_ =	sdelay $0x3  }
0x34: {  	[smem:$0x3FBA] =	sst s10  }
0x35: {  	s10 =	sld [smem:$0x3FB9];
	_ =	sdelay $0x3  }
0x36: {  	p1 =	seq.s32 s10, $0x1;
	s10 =	sld [smem:$0x3FBA];
	_ =	sdelay $0x3  }
0x37: {  	[smem:$0x3FBA] =	sst s10  }
0x38: {  	s10 =	sld [smem:$0x3FBB]  }
0x39: {  	_ = 	snop;
	(pc) =	sbr.ind lr, $3  }
0x3a: {  	_ = 	snop  }
0x3b: {  	_ = 	snop  }
0x3c: {  	p2 =	seq.s32 s10, $0x1;
	s10 =	sld [smem:$0x3FBA]  }
0x3d: {  	_ =	shalt  }
0x3e: {  	_ =	shalt  }
0x3f: {  	_ =	shalt  }
0x40: {  	_ =	shalt  }
0x41: {  	_ =	shalt  }
0x42: {  	_ =	shalt  }
0x43: {  	_ =	shalt  }
0x44: {  	_ =	shalt  }
0x45: {  	_ =	shalt  }
0x46: {  	_ =	shalt  }
0x47: {  	_ =	shalt  }
0x48: {  	_ =	shalt  }
0x49: {  	_ =	shalt  }
0x4a: {  	_ =	shalt  }
0x4b: {  	_ =	shalt  }
0x4c: {  	_ =	shalt  }
0x4d: {  	_ =	shalt  }
0x4e: {  	_ =	shalt  }
0x4f: {  	_ =	shalt  }
0x50: {  	_ =	shalt  }
0x51: {  	_ =	shalt  }
0x52: {  	_ =	shalt  }
0x53: {  	_ =	shalt  }
0x54: {  	_ =	shalt  }
0x55: {  	_ =	shalt  }
0x56: {  	_ =	shalt  }
0x57: {  	_ =	shalt  }
0x58: {  	_ =	shalt  }
0x59: {  	_ =	shalt  }
0x5a: {  	_ =	shalt  }
0x5b: {  	_ =	shalt  }
0x5c: {  	_ =	shalt  }
0x5d: {  	_ =	shalt  }
0x5e: {  	_ =	shalt  }
0x5f: {  	_ =	shalt  }
0x60: {  	_ =	shalt  }
0x61: {  	_ =	shalt  }
0x62: {  	_ =	shalt  }
0x63: {  	_ =	shalt  }
0x64: {  	_ =	shalt  }
0x65: {  	_ =	shalt  }
0x66: {  	_ =	shalt  }
0x67: {  	_ =	shalt  }
0x68: {  	_ =	shalt  }
0x69: {  	_ =	shalt  }
0x6a: {  	_ =	shalt  }
0x6b: {  	_ =	shalt  }
0x6c: {  	_ =	shalt  }
0x6d: {  	_ =	shalt  }
0x6e: {  	_ =	shalt  }
0x6f: {  	_ =	shalt  }
0x70: {  	_ =	shalt  }
0x71: {  	_ =	shalt  }
0x72: {  	_ =	shalt  }
0x73: {  	_ =	shalt  }
0x74: {  	_ =	shalt  }
0x75: {  	_ =	shalt  }
0x76: {  	_ =	shalt  }
0x77: {  	_ =	shalt  }
0x78: {  	_ =	shalt  }
0x79: {  	_ =	shalt  }
0x7a: {  	_ =	shalt  }
0x7b: {  	_ =	shalt  }
0x7c: {  	_ =	shalt  }
0x7d: {  	_ =	shalt  }
0x7e: {  	_ =	shalt  }
0x7f: {  	_ =	shalt  }
0x80: {  	_ =	shalt  }
0x81: {  	_ =	shalt  }
0x82: {  	_ =	shalt  }
0x83: {  	_ =	shalt  }
0x84: {  	_ =	shalt  }
0x85: {  	_ =	shalt  }
0x86: {  	_ =	shalt  }
0x87: {  	_ =	shalt  }
.Lfunc_end0:
.L_simem_size_0:
called_computation_lowered:
.L_overlay_start_0:
0x88: {  	s2 =	sld [smem:$0x3FD9]  }
0x89: {  	s3 =	sld [smem:$0x3FFE];
	_ =	sdelay $0x1  }
0x8a: {  	s1 =	srdreg.scid  }
0x8b: {  	s0 =	sand.u32 $0x1, s1  }
0x8c: {  	s14 =	sshll.u32 s0, $0xA;
	s2 =	sadd.s32 s3, s2  }
0x8d: {  	s2 =	sadd.s32 s2, s14  }
0x8e: {  	[smem:$0x3FC6] =	sst s2  }
0x8f: {  	_ = 	snop  }
0x90: {  	s2 =	sld [smem:$0x3FD0];
	_ =	sdelay $0x2  }
0x91: {  	s15 =	simm.s32 $0xA;
	s4 =	simm.s32 $0x10  }
0x92: {  	[smem:s4], [sflag:s15] =	dma.local [hbm:s2], $0x1  }
0x93: {  	_ =	swait.eq [sflag:s15], $0x1  }
0x94: {  	[sflag:s15] =	ssyncset.done $0x0  }
0x95: {  	s16 =	sld [smem:$0x10];
	[sflag:s15] =	ssyncadd.s32 $0xFFFFFFFF  }
0x96: {  	s17 =	sld [smem:$0x11];
	(tm) =	ssettm $0x1  }
0x97: {  	s18 =	sld [smem:$0x3FFB];
	_ =	sdelay $0x3  }
0x98: {  	_ =	strace s18  }
0x99: {  	s4 =	sld [smem:$0x3FFC];
	_ =	sdelay $0x3  }
0x9a: {  	_ =	strace s4  }
0x9b: {  	s4 =	sld [smem:$0x3FFD];
	_ =	sdelay $0x3  }
0x9c: {  	_ =	strace s4  }
0x9d: {  	_ =	strace $0x8FFFFFFF  }
0x9e: {  	s19 =	sld [smem:$0x3FDB];
	_ =	sdelay $0x1  }
0x9f: {  	s5 =	simm.s32 $_scs_section_size  }
0xa0: {  	s6 =	simm.s32 $_size__tile_overlayer_lowered;
	s7 =	simm.s32 $_tile_overlayer_lowered  }
0xa1: {  	s22 =	simm.s32 $0x1BFF;
	s21 =	sshll.u32 s7, $0x1;
	s4 =	sadd.s32 s5, s19  }
0xa2: {  	s8 =	simm.s32 $0x0;
	s20 =	sshll.u32 s6, $0x1;
	s6 =	sadd.s32 s21, s4  }
0xa3: {  	[timem:s8], [sflag:s22] =	dma.local [hbm:s6], s20  }
0xa4: {  	_ =	swait.ge [sflag:s22], s20  }
0xa5: {  	s5 =	ssub.s32 $0x0, s20;
	[sflag:s22] =	ssyncset.done $0x0  }
0xa6: {  	[sflag:s22] =	ssyncadd.s32 s5;
	_ =	sdelay $0x1  }
0xa7: {  	s23 =	simm.s32 $0x1B8B  }
0xa8: {  	_ =	swait.ge [sflag:s23], $0x1  }
0xa9: {  	[sflag:s23] =	ssyncset.done $0x0  }
0xaa: {  	s25 =	simm.s32 $0x1B8E;
	s24 =	sld [smem:$0x3FFE];
	[sflag:s23] =	ssyncadd.s32 $0xFFFFFFFF  }
0xab: {  	s26 =	simm.s32 $execute0_lowered;
	[smem:$0x3FD2] =	sst s25  }
0xac: {  	s6 =	sshll.u32 s26, $0x1;
	_ =	strace $0x80000046;
	[dreg:$0x1] =	wrdreg $0xFFFFFFFF  }
0xad: {  	s28 =	simm.s32 $_size_execute0_lowered;
	s4 =	sadd.s32 s4, s6;
	[dreg:$0x0] =	wrdreg $0x0  }
0xae: {  	s6 =	sshll.u32 s28, $0x1;
	[dreg:$0x2] =	wrdreg s4  }
0xaf: {  	[dreg:$0x3] =	wrdreg s6  }
0xb0: {  	[dreg:$0x4] =	wrdreg $0xC0  }
0xb1: {  	_ =	task [dreg:s8], $0x5FFFF  }
0xb2: {  	[dreg:$0x1] =	wrdreg $0xFFFFFFFF  }
0xb3: {  	[dreg:$0x0] =	wrdreg $0x60  }
0xb4: {  	[dreg:$0x2] =	wrdreg s16  }
0xb5: {  	[dreg:$0x3] =	wrdreg s17  }
0xb6: {  	[dreg:$0x4] =	wrdreg s24  }
0xb7: {  	[dreg:$0x5] =	wrdreg $0x9  }
0xb8: {  	_ =	task.clear_ibuf [dreg:s8], $0x6FFFF;
	_ =	strace $0x90000046  }
0xb9: {  	s29 =	simm.s32 $0x9;
	_ =	strace $0x80000048  }
0xba: {  	_ =	swait.ge [sflag:s29], $0x1  }
0xbb: {  	[sflag:s29] =	ssyncadd.s32 $0xFFFFFFFF  }
0xbc: {  	_ =	strace $0x90000048  }
0xbd: {  	_ =	sfence  }
0xbe: {  	s30 =	sld [smem:$0x0];
	_ =	sdelay $0x2  }
0xbf: {  	s31 =	sshll.u32 s1, $0xD;
	s1 =	sshrl.u32 s1, $0x2  }
0xc0: {  	s3 =	sand.u32 $0x4000, s31;
	s1 =	sadd.s32 s1, s30  }
0xc1: {  	s0 =	sor.u32 s3, s0;
	s1 =	sshll.u32 s1, $0x11  }
0xc2: {  	s0 =	sor.u32 s1, s0  }
0xc3: {  	s0 =	sadd.s32 $0x8F2B, s0  }
0xc4: {  	[sflag:s0] =	ssyncadd.remote.s32 $0x1  }
0xc5: {  	_ =	sfence.sel $0xFFFF  }
0xc6: {  	[dreg:$0x0] =	wrdreg $0xFFFFFFFF;
	(pc) =	sbr.abs _section_cstart, $3  }
0xc7: {  	[dreg:$0x1] =	wrdreg $0xFFFFFFFF  }
0xc8: {  	_ =	task.clear_ibuf [dreg:s8], $0x2FFFF;
	_ =	strace $0x9FFFFFFF  }
0xc9: {  	(tm) =	ssettm $0x7FFFFFFF  }
tec
execute0_lowered:
.L_overlay_start_1:
0x0: {  	(tag) =	ssettag $0x1  }
0x1: {  	s6 =	rddreg [dreg:$0x0]  }
0x2: {  	s0 =	stileid.u32;
	s4 =	rddreg [dreg:$0x1]  }
0x3: {  	s1 =	srdreg.scid;
	s7 =	rddreg [dreg:$0x2];
	s11 =	simm.s32 $0x1  }
0x4: {  	s12 =	simm.s32 $0x800;
	s13 =	simm.s32 $0x1000;
	s14 =	simm.s32 $0x1800  }
0x5: {  	s15 =	simm.s32 $0x1880;
	s16 =	simm.s32 $0x1900;
	s17 =	simm.s32 $0x1980  }
0x6: {  	s18 =	simm.s32 $0x0;
	s2 =	sshll.u32 s0, $0x1;
	s5 =	sshrl.u32 s0, $0x3  }
0x7: {  	s3 =	sand.u32 $0x1, s1;
	s29 =	sand.u32 $0xE, s2;
	s9 =	sshll.u32 s5, $0xB  }
0x8: {  	s2 =	simm.s32 $0x0;
	s5 =	smul.u32 $0x1800, s5;
	s1 =	sor.u32 s3, s29  }
0x9: {  	[smem:$0x7FF] =	sst s2;
	s3 =	ssub.s32 $0x2, s3;
	s8 =	sshll.u32 s1, $0x7  }
0xa: {  	s1 =	rddreg [dreg:$0x3];
	_ =	strace $0x80000047;
	s30 =	sshrl.u32 s3, $0x1  }
0xb: {  	s9 =	sor.u32 s9, s8;
	s8 =	sor.u32 s5, s8;
	s5 =	sshrl.u32 s5, $0x3  }
0xc: {  	s10 =	ssub.s32 s3, s30;
	s9 =	sshrl.u32 s9, $0x3;
	s3 =	sadd.s32 s4, s5  }
0xd: {  	s31 =	sshrl.u32 s8, $0x3;
	s10 =	smax.u32 s10, $0x1;
	s9 =	sadd.s32 s9, s7  }
0xe: {  	s4 =	sadd.s32 $0x100, s3;
	s5 =	sadd.s32 $0x200, s3;
	s6 =	sadd.s32 s6, s31  }
0xf: {  	s7 =	sadd.s32 $0x100, s6;
	s8 =	sadd.s32 $0x200, s6;
	s9 =	sadd.s32 $0xC00, s9  }
.LBB2_1:
0x10: {  	[tilespmem:s2], [sflag:$0x1] =	stream.linear.gather [hbm4b:s3+s2], $0x800, $0x38;
	[tilespmem:$0x1A00] =	vst v63  }
0x11: {  	_ =	swait.ge [sflag:s11], $0x800  }
0x12: {  	[sflag:s11] =	ssyncset.done $0x0  }
0x13: {  	[sflag:s11] =	ssyncadd.s32 $0xFFFFF800  }
0x14: {  	[tilespmem:s12], [sflag:$0x1] =	stream.linear.gather [hbm4b:s4+s2], $0x800, $0x38;
	[tilespmem:$0x1A00] =	vst v63  }
0x15: {  	_ =	swait.ge [sflag:s11], $0x800  }
0x16: {  	[sflag:s11] =	ssyncset.done $0x0  }
0x17: {  	[sflag:s11] =	ssyncadd.s32 $0xFFFFF800  }
0x18: {  	[tilespmem:s13], [sflag:$0x1] =	stream.linear.gather [hbm4b:s5+s2], $0x800, $0x38;
	[tilespmem:$0x1A00] =	vst v63  }
0x19: {  	_ =	swait.ge [sflag:s11], $0x800  }
0x1a: {  	[sflag:s11] =	ssyncset.done $0x0  }
0x1b: {  	[sflag:s11] =	ssyncadd.s32 $0xFFFFF800  }
0x1c: {  	[tilespmem:s14], [sflag:$0x1] =	stream.linear.gather [hbm4b:s6+s2], $0x80, $0x38;
	[tilespmem:$0x1A00] =	vst v63  }
0x1d: {  	_ =	swait.ge [sflag:s11], $0x80  }
0x1e: {  	[sflag:s11] =	ssyncset.done $0x0  }
0x1f: {  	[sflag:s11] =	ssyncadd.s32 $0xFFFFFF80  }
0x20: {  	[tilespmem:s15], [sflag:$0x1] =	stream.linear.gather [hbm4b:s7+s2], $0x80, $0x38;
	[tilespmem:$0x1A00] =	vst v63  }
0x21: {  	_ =	swait.ge [sflag:s11], $0x80  }
0x22: {  	[sflag:s11] =	ssyncset.done $0x0  }
0x23: {  	[sflag:s11] =	ssyncadd.s32 $0xFFFFFF80  }
0x24: {  	[tilespmem:s16], [sflag:$0x1] =	stream.linear.gather [hbm4b:s8+s2], $0x80, $0x38;
	[tilespmem:$0x1A00] =	vst v63  }
0x25: {  	_ =	swait.ge [sflag:s11], $0x80  }
0x26: {  	[sflag:s11] =	ssyncset.done $0x0  }
0x27: {  	s19 =	simm.s32 $0x0;
	[sflag:s11] =	ssyncadd.s32 $0xFFFFFF80  }
.LBB2_2:
0x28: {  	s21 =	simm.s32 $0x0  }
0x29: {  	v7 =	vld [tilespmem:s21+$0x1000]  }
0x2a: {  	v5 =	vld [tilespmem:s21+$0x800];
	_ =	sdelay $0x2  }
0x2b: {  	v6 =	vld [tilespmem:s21+$0x0]  }
0x2c: {  	v8 =	vbroadcast v7, $0x0  }
0x2d: {  	v3 =	vbroadcast v7, $0xF;
	v10 =	vbroadcast v5, $0x0  }
0x2e: {  	v4 =	vbroadcast v7, $0xE;
	v11 =	vbroadcast v7, $0x3  }
0x2f: {  	v12 =	vbroadcast v5, $0xD;
	v13 =	vbroadcast v7, $0x1  }
0x30: {  	v14 =	vbroadcast v7, $0xC;
	v15 =	vbroadcast v6, $0x0  }
0x31: {  	v16 =	vbroadcast v7, $0xA;
	v17 =	vbroadcast v5, $0xC  }
0x32: {  	v18 =	vbroadcast v6, $0xD;
	v19 =	vbroadcast v7, $0x9  }
0x33: {  	v21 =	vbroadcast v5, $0x5;
	v22 =	vbroadcast v7, $0x7  }
0x34: {  	v23 =	vbroadcast v7, $0x4;
	v24 =	vbroadcast v6, $0x5  }
0x35: {  	s20 =	sshll.u32 s19, $0x4;
	v25 =	vbroadcast v5, $0x6;
	v46 =	vbroadcast v7, $0x8  }
0x36: {  	v0 =	vld [tilespmem:s20+$0x1900];
	v27 =	vbroadcast v5, $0x3;
	v28 =	vbroadcast v5, $0x9  }
0x37: {  	v1 =	vld [tilespmem:s20+$0x1880];
	v47 =	vbroadcast v5, $0x7;
	v29 =	vbroadcast v6, $0x4  }
0x38: {  	v30 =	vbroadcast v6, $0x8;
	v31 =	vbroadcast v6, $0x3  }
0x39: {  	v2 =	vld [tilespmem:s20+$0x1800];
	v32 =	vbroadcast v5, $0x4;
	v33 =	vbroadcast v7, $0x2  }
0x3a: {  	v34 =	vbroadcast v6, $0x7;
	v35 =	vbroadcast v5, $0x8  }
0x3b: {  	v9 =	vimm.f32 $3.399999950e+38;
	v36 =	vbroadcast v6, $0x2;
	v37 =	vbroadcast v5, $0x2  }
0x3c: {  	v48 =	vbroadcast v6, $0x6;
	v3 =	vsub.f32 v0, v3;
	v10 =	vsub.f32 v1, v10  }
0x3d: {  	v50 =	vbroadcast v7, $0x5;
	v8 =	vsub.f32 v0, v8;
	v13 =	vsub.f32 v0, v13  }
0x3e: {  	v38 =	vbroadcast v5, $0x1;
	v15 =	vsub.f32 v2, v15;
	v20 =	vsub.f32 v0, v16  }
0x3f: {  	v39 =	vbroadcast v6, $0x9;
	v17 =	vsub.f32 v1, v17;
	v12 =	vsub.f32 v1, v12  }
0x40: {  	v40 =	vbroadcast v6, $0xA;
	v21 =	vsub.f32 v1, v21;
	v22 =	vsub.f32 v0, v22  }
0x41: {  	v53 =	vbroadcast v6, $0xB;
	v45 =	vsub.f32 v1, v25;
	v14 =	vsub.f32 v0, v14  }
0x42: {  	v54 =	vbroadcast v6, $0xC;
	v23 =	vsub.f32 v0, v23;
	v25 =	vsub.f32 v0, v46  }
0x43: {  	v55 =	vbroadcast v5, $0xB;
	v30 =	vsub.f32 v2, v30;
	v27 =	vsub.f32 v1, v27  }
0x44: {  	v58 =	vbroadcast v7, $0xB;
	v31 =	vsub.f32 v2, v31;
	v11 =	vsub.f32 v0, v11  }
0x45: {  	v61 =	vbroadcast v6, $0xE;
	v24 =	vsub.f32 v2, v24;
	v33 =	vsub.f32 v0, v33  }
0x46: {  	v16 =	vbroadcast v5, $0xA;
	v35 =	vsub.f32 v1, v35;
	v28 =	vsub.f32 v1, v28  }
0x47: {  	v49 =	vsub.f32 v2, v29;
	v37 =	vsub.f32 v1, v37;
	v10 =	vmul.f32 v10, v10  }
0x48: {  	v34 =	vsub.f32 v2, v34;
	v8 =	vmul.f32 v8, v8;
	v13 =	vmul.f32 v13, v13  }
0x49: {  	v38 =	vsub.f32 v1, v38;
	v15 =	vmul.f32 v15, v15;
	v26 =	vmul.f32 v12, v12  }
0x4a: {  	v39 =	vsub.f32 v2, v39;
	v12 =	vmul.f32 v21, v21;
	v23 =	vmul.f32 v23, v23  }
0x4b: {  	v32 =	vsub.f32 v1, v32;
	v25 =	vmul.f32 v25, v25;
	v27 =	vmul.f32 v27, v27  }
0x4c: {  	v29 =	vsub.f32 v0, v50;
	v31 =	vmul.f32 v31, v31;
	v11 =	vmul.f32 v11, v11  }
0x4d: {  	v51 =	vsub.f32 v2, v36;
	v30 =	vmul.f32 v30, v30;
	v34 =	vmul.f32 v34, v34  }
0x4e: {  	v52 =	vsub.f32 v2, v40;
	v35 =	vmul.f32 v35, v35;
	v39 =	vmul.f32 v39, v39  }
0x4f: {  	v56 =	vsub.f32 v2, v54;
	v28 =	vmul.f32 v28, v28;
	v29 =	vmul.f32 v29, v29  }
0x50: {  	v19 =	vsub.f32 v0, v19;
	v22 =	vmul.f32 v22, v22;
	v24 =	vmul.f32 v24, v24  }
0x51: {  	v16 =	vsub.f32 v1, v16;
	v32 =	vmul.f32 v32, v32;
	v37 =	vmul.f32 v37, v37  }
0x52: {  	v21 =	vsub.f32 v1, v47;
	v57 =	vmul.f32 v52, v52;
	v19 =	vmul.f32 v19, v19  }
0x53: {  	v17 =	vmul.f32 v17, v17;
	v10 =	vadd.f32 v10, v15;
	v27 =	vadd.f32 v27, v31  }
0x54: {  	v15 =	vbroadcast v6, $0x1;
	v31 =	vsub.f32 v2, v48;
	v28 =	vadd.f32 v28, v39  }
0x55: {  	v21 =	vmul.f32 v21, v21;
	v30 =	vadd.f32 v35, v30;
	v39 =	vsub.f32 v2, v53  }
0x56: {  	v12 =	vadd.f32 v12, v24;
	v16 =	vmul.f32 v16, v16;
	v8 =	vadd.f32 v8, v10  }
0x57: {  	v35 =	vsub.f32 v0, v58;
	v10 =	vmul.f32 v45, v45;
	v15 =	vsub.f32 v2, v15  }
0x58: {  	v11 =	vadd.f32 v11, v27;
	v8 =	vmin.f32 v9, v8;
	v9 =	vbroadcast v7, $0x6  }
0x59: {  	v27 =	vmul.f32 v49, v49;
	v31 =	vmul.f32 v31, v31;
	v21 =	vadd.f32 v21, v34  }
0x5a: {  	v34 =	vmul.f32 v51, v51;
	v29 =	vadd.f32 v29, v12;
	v9 =	vsub.f32 v0, v9  }
0x5b: {  	v12 =	vmul.f32 v38, v38;
	v21 =	vadd.f32 v22, v21;
	v27 =	vadd.f32 v32, v27  }
0x5c: {  	v10 =	vadd.f32 v10, v31;
	v7 =	vbroadcast v7, $0xD;
	v9 =	vmul.f32 v9, v9  }
0x5d: {  	v15 =	vmul.f32 v15, v15;
	v34 =	vadd.f32 v37, v34;
	v23 =	vadd.f32 v23, v27  }
0x5e: {  	v24 =	vmul.f32 v56, v56;
	v63 =	vsub.f32 v0, v7;
	v60 =	vadd.f32 v9, v10  }
0x5f: {  	v6 =	vbroadcast v6, $0xF;
	v10 =	vadd.f32 v16, v57;
	v9 =	vadd.f32 v12, v15  }
0x60: {  	v59 =	vmul.f32 v39, v39;
	v16 =	vadd.f32 v19, v28;
	v19 =	vsub.f32 v1, v55  }
0x61: {  	v15 =	vmul.f32 v33, v33;
	v12 =	vadd.f32 v17, v24;
	v17 =	vsub.f32 v2, v18  }
0x62: {  	v18 =	vmul.f32 v20, v20;
	v13 =	vadd.f32 v13, v9;
	v9 =	vmul.f32 v14, v14  }
0x63: {  	v15 =	vadd.f32 v15, v34;
	v14 =	vbroadcast v5, $0xE;
	v19 =	vmul.f32 v19, v19  }
0x64: {  	v7 =	vmin.f32 v8, v13;
	v13 =	vmul.f32 v17, v17;
	v17 =	vsub.f32 v2, v61  }
0x65: {  	v62 =	vmul.f32 v35, v35;
	v8 =	vadd.f32 v18, v10;
	v10 =	vadd.f32 v19, v59  }
0x66: {  	v14 =	vsub.f32 v1, v14;
	v18 =	vbroadcast v5, $0xF;
	v7 =	vmin.f32 v7, v15  }
0x67: {  	v13 =	vadd.f32 v26, v13;
	v15 =	vmul.f32 v17, v17;
	v11 =	vmin.f32 v7, v11  }
0x68: {  	v17 =	vmul.f32 v63, v63;
	v14 =	vmul.f32 v14, v14;
	v11 =	vmin.f32 v11, v23  }
0x69: {  	v7 =	vadd.f32 v25, v30;
	v10 =	vadd.f32 v62, v10;
	v11 =	vmin.f32 v11, v29  }
0x6a: {  	v5 =	vmin.f32 v11, v60;
	v11 =	vadd.f32 v17, v13;
	v13 =	vadd.f32 v14, v15  }
0x6b: {  	s21 =	simm.s32 $0x40;
	v14 =	vmin.f32 v5, v21;
	v5 =	vsub.f32 v2, v6;
	v6 =	vsub.f32 v1, v18  }
.LBB2_3:
0x6c: {  	s22 =	sshra.s32 s21, $0x2;
	p0 =	sne.s32 s21, $0x1FC0;
	s21 =	sadd.s32 $0x40, s21;
	v14 =	vmin.f32 v14, v7;
	v4 =	vsub.f32 v0, v4  }
0x6d: {  	v7 =	vld [tilespmem:s22+$0x1000];
	v14 =	vmin.f32 v14, v16;
	v15 =	vmul.f32 v5, v5;
	v16 =	vmul.f32 v6, v6  }
0x6e: {  	v9 =	vadd.f32 v9, v12;
	v5 =	vld [tilespmem:s22+$0x800];
	v8 =	vmin.f32 v14, v8;
	v4 =	vmul.f32 v4, v4  }
0x6f: {  	v3 =	vmul.f32 v3, v3;
	v6 =	vld [tilespmem:s22+$0x0];
	v8 =	vmin.f32 v8, v10;
	v10 =	vadd.f32 v16, v15  }
0x70: {  	v8 =	vmin.f32 v8, v9;
	v4 =	vadd.f32 v4, v13  }
0x71: {  	v8 =	vmin.f32 v8, v11;
	v3 =	vadd.f32 v3, v10  }
0x72: {  	v9 =	vbroadcast v7, $0x0;
	v10 =	vbroadcast v7, $0xF;
	v8 =	vmin.f32 v8, v4  }
0x73: {  	v4 =	vbroadcast v7, $0xE;
	v11 =	vbroadcast v5, $0x0;
	v13 =	vmin.f32 v8, v3  }
0x74: {  	v18 =	vbroadcast v7, $0x3;
	v14 =	vbroadcast v5, $0xD;
	v3 =	vsub.f32 v0, v10  }
0x75: {  	v15 =	vbroadcast v7, $0xC;
	v10 =	vbroadcast v7, $0x1;
	v8 =	vsub.f32 v1, v11  }
0x76: {  	v12 =	vbroadcast v7, $0xA;
	v9 =	vsub.f32 v0, v9;
	v11 =	vbroadcast v6, $0x0  }
0x77: {  	v17 =	vbroadcast v5, $0xC;
	v19 =	vmul.f32 v8, v8;
	v8 =	vsub.f32 v0, v10  }
0x78: {  	v20 =	vmul.f32 v9, v9;
	v9 =	vbroadcast v6, $0xD;
	v11 =	vsub.f32 v2, v11  }
0x79: {  	v16 =	vbroadcast v7, $0x9;
	v10 =	vmul.f32 v8, v8;
	v8 =	vsub.f32 v0, v12  }
0x7a: {  	v21 =	vbroadcast v5, $0xA;
	v11 =	vmul.f32 v11, v11;
	v12 =	vsub.f32 v1, v17  }
0x7b: {  	v23 =	vbroadcast v7, $0x7;
	v22 =	vbroadcast v5, $0x5;
	v14 =	vsub.f32 v1, v14  }
0x7c: {  	v24 =	vbroadcast v7, $0x4;
	v25 =	vbroadcast v6, $0x5;
	v17 =	vsub.f32 v1, v21  }
0x7d: {  	v23 =	vsub.f32 v0, v23;
	v21 =	vsub.f32 v1, v22;
	v22 =	vbroadcast v5, $0x6  }
0x7e: {  	v26 =	vbroadcast v6, $0x1;
	v19 =	vadd.f32 v19, v11;
	v11 =	vmul.f32 v14, v14  }
0x7f: {  	v27 =	vbroadcast v7, $0x8;
	v21 =	vmul.f32 v21, v21;
	v22 =	vsub.f32 v1, v22  }
0x80: {  	v28 =	vbroadcast v5, $0x3;
	v29 =	vbroadcast v5, $0x9;
	v14 =	vsub.f32 v0, v15  }
0x81: {  	v15 =	vadd.f32 v20, v19;
	v19 =	vmul.f32 v22, v22;
	v20 =	vbroadcast v5, $0x7  }
0x82: {  	v24 =	vsub.f32 v0, v24;
	v30 =	vbroadcast v6, $0x8;
	v22 =	vbroadcast v6, $0x4  }
0x83: {  	v31 =	vbroadcast v7, $0x6;
	v15 =	vmin.f32 v13, v15;
	v13 =	vsub.f32 v0, v27  }
0x84: {  	v30 =	vsub.f32 v2, v30;
	v27 =	vbroadcast v6, $0x3;
	v20 =	vsub.f32 v1, v20  }
0x85: {  	v26 =	vsub.f32 v2, v26;
	v24 =	vmul.f32 v24, v24;
	v13 =	vmul.f32 v13, v13  }
0x86: {  	v32 =	vbroadcast v5, $0x4;
	v28 =	vsub.f32 v1, v28;
	v20 =	vmul.f32 v20, v20  }
0x87: {  	v33 =	vbroadcast v7, $0x2;
	v34 =	vbroadcast v6, $0x7;
	v27 =	vsub.f32 v2, v27  }
0x88: {  	v18 =	vsub.f32 v0, v18;
	v31 =	vsub.f32 v0, v31;
	v28 =	vmul.f32 v28, v28  }
0x89: {  	v35 =	vbroadcast v5, $0x8;
	v25 =	vsub.f32 v2, v25;
	v27 =	vmul.f32 v27, v27  }
0x8a: {  	v36 =	vbroadcast v6, $0x2;
	v33 =	vsub.f32 v0, v33;
	v26 =	vmul.f32 v26, v26  }
0x8b: {  	v37 =	vbroadcast v5, $0x2;
	v18 =	vmul.f32 v18, v18;
	v27 =	vadd.f32 v28, v27  }
0x8c: {  	v35 =	vsub.f32 v1, v35;
	v29 =	vsub.f32 v1, v29;
	v28 =	vbroadcast v6, $0x6  }
0x8d: {  	v22 =	vsub.f32 v2, v22;
	v18 =	vadd.f32 v18, v27;
	v27 =	vbroadcast v7, $0x5  }
0x8e: {  	v38 =	vbroadcast v5, $0x1;
	v39 =	vbroadcast v6, $0x9;
	v37 =	vsub.f32 v1, v37  }
0x8f: {  	v40 =	vbroadcast v6, $0xA;
	v34 =	vsub.f32 v2, v34;
	v22 =	vmul.f32 v22, v22  }
0x90: {  	v38 =	vsub.f32 v1, v38;
	v39 =	vsub.f32 v2, v39;
	v30 =	vmul.f32 v30, v30  }
0x91: {  	v32 =	vsub.f32 v1, v32;
	v34 =	vmul.f32 v34, v34;
	v28 =	vsub.f32 v2, v28  }
0x92: {  	v35 =	vmul.f32 v35, v35;
	v39 =	vmul.f32 v39, v39;
	v27 =	vsub.f32 v0, v27  }
0x93: {  	v29 =	vmul.f32 v29, v29;
	v20 =	vadd.f32 v20, v34;
	v28 =	vmul.f32 v28, v28  }
0x94: {  	v34 =	vsub.f32 v2, v36;
	v36 =	vsub.f32 v2, v40;
	v27 =	vmul.f32 v27, v27  }
0x95: {  	v23 =	vmul.f32 v23, v23;
	v29 =	vadd.f32 v29, v39;
	v39 =	vbroadcast v6, $0xB  }
0x96: {  	v25 =	vmul.f32 v25, v25;
	v30 =	vadd.f32 v35, v30;
	v35 =	vbroadcast v6, $0xC  }
0x97: {  	v32 =	vmul.f32 v32, v32;
	v39 =	vsub.f32 v2, v39;
	v34 =	vmul.f32 v34, v34  }
0x98: {  	v37 =	vmul.f32 v37, v37;
	v21 =	vadd.f32 v21, v25;
	v25 =	vmul.f32 v31, v31  }
0x99: {  	v31 =	vsub.f32 v2, v35;
	v20 =	vadd.f32 v23, v20;
	v23 =	vbroadcast v5, $0xB  }
0x9a: {  	v34 =	vadd.f32 v37, v34;
	v19 =	vadd.f32 v19, v28;
	v28 =	vmul.f32 v36, v36  }
0x9b: {  	v16 =	vsub.f32 v0, v16;
	v35 =	vbroadcast v7, $0xB;
	v31 =	vmul.f32 v31, v31  }
0x9c: {  	v22 =	vadd.f32 v32, v22;
	v21 =	vadd.f32 v27, v21;
	v27 =	vmul.f32 v39, v39  }
0x9d: {  	v17 =	vmul.f32 v17, v17;
	v35 =	vsub.f32 v0, v35;
	v32 =	vmul.f32 v38, v38  }
0x9e: {  	v16 =	vmul.f32 v16, v16;
	v12 =	vmul.f32 v12, v12;
	v22 =	vadd.f32 v24, v22  }
0x9f: {  	v24 =	vbroadcast v6, $0xE;
	v19 =	vadd.f32 v25, v19;
	v17 =	vadd.f32 v17, v28  }
0xa0: {  	v16 =	vadd.f32 v16, v29;
	v25 =	vadd.f32 v32, v26;
	v26 =	vmul.f32 v33, v33  }
0xa1: {  	v12 =	vadd.f32 v12, v31;
	v23 =	vsub.f32 v1, v23;
	v28 =	vmul.f32 v35, v35  }
0xa2: {  	v7 =	vbroadcast v7, $0xD;
	v10 =	vadd.f32 v10, v25;
	v25 =	vsub.f32 v2, v9  }
0xa3: {  	v26 =	vadd.f32 v26, v34;
	v9 =	vmul.f32 v14, v14;
	v14 =	vbroadcast v5, $0xE  }
0xa4: {  	v8 =	vmul.f32 v8, v8;
	v23 =	vmul.f32 v23, v23;
	v29 =	vsub.f32 v0, v7  }
0xa5: {  	v7 =	vmin.f32 v15, v10;
	v10 =	vmul.f32 v25, v25;
	v15 =	vsub.f32 v2, v24  }
0xa6: {  	v8 =	vadd.f32 v8, v17;
	v17 =	vadd.f32 v23, v27;
	v7 =	vmin.f32 v7, v26  }
0xa7: {  	v14 =	vsub.f32 v1, v14;
	v11 =	vadd.f32 v11, v10;
	v15 =	vmul.f32 v15, v15  }
.Ltmp0:
0xa8: {  	v18 =	vmin.f32 v7, v18;
	v7 =	vadd.f32 v13, v30;
	v10 =	vadd.f32 v28, v17;
	(pc) =	sbr.rel @p0 .LBB2_3-.Ltmp0, $4  }
0xa9: {  	v17 =	vmul.f32 v29, v29;
	v14 =	vmul.f32 v14, v14;
	v13 =	vmin.f32 v18, v22  }
0xaa: {  	v6 =	vbroadcast v6, $0xF;
	v18 =	vbroadcast v5, $0xF;
	v13 =	vmin.f32 v13, v21  }
0xab: {  	v11 =	vadd.f32 v17, v11;
	v5 =	vmin.f32 v13, v19;
	v13 =	vadd.f32 v14, v15  }
0xac: {  	v14 =	vmin.f32 v5, v20;
	v5 =	vsub.f32 v2, v6;
	v6 =	vsub.f32 v1, v18  }
0xad: {  	v1 =	vmin.f32 v14, v7;
	v0 =	vsub.f32 v0, v4  }
0xae: {  	v1 =	vmin.f32 v1, v16;
	v2 =	vmul.f32 v5, v5;
	v62 =	vmul.f32 v6, v6  }
0xaf: {  	v63 =	vadd.f32 v9, v12;
	s19 =	sadd.s32 $0x1, s19;
	v1 =	vmin.f32 v1, v8;
	v0 =	vmul.f32 v0, v0  }
0xb0: {  	v3 =	vmul.f32 v3, v3;
	p0 =	sne.s32 s19, $0x8;
	v1 =	vmin.f32 v1, v10;
	v2 =	vadd.f32 v62, v2  }
.Ltmp1:
0xb1: {  	v1 =	vmin.f32 v1, v63;
	v0 =	vadd.f32 v0, v13;
	(pc) =	sbr.rel @p0 .LBB2_2-.Ltmp1, $4  }
0xb2: {  	v1 =	vmin.f32 v1, v11;
	v2 =	vadd.f32 v3, v2  }
0xb3: {  	v0 =	vmin.f32 v1, v0  }
0xb4: {  	v0 =	vmin.f32 v0, v2  }
0xb5: {  	[tilespmem:s20+$0x1980] =	vst v0  }
0xb6: {  	s18 =	sadd.s32 $0x1, s18  }
0xb7: {  	p0 =	sne.s32 s18, s10  }
.Ltmp2:
0xb8: {  	_ = 	snop;
	(pc) =	sbr.rel @p0 .LBB2_1-.Ltmp2, $4  }
0xb9: {  	[hbm4b:s9+s2] =	stream.linear.scatter [tilespmem:s17], [sflag:$0x1], $0x80, $0x38;
	[tilespmem:$0x1A00] =	vst v63  }
0xba: {  	_ =	swait.ge [sflag:s11], $0x80  }
0xbb: {  	[sflag:s11] =	ssyncset.done $0x0  }
0xbc: {  	[sflag:s11] =	ssyncadd.s32 $0xFFFFFF80  }
0xbd: {  	_ =	sfence.sel $0x180000  }
0xbe: {  	[bflag:$0x0] =	sbarrier.arrive $0xFFFF  }
0xbf: {  	p0 =	sne.s32 s0, $0x0;
	_ =	strace $0x90000047  }
0xc0: {  	s0 =	sadd.s32 @!p0 $0x100000, s1;
	[bflag:$0x2] =	sbarrier.arrive $0xFFFF  }
0xc1: {  	[sflag:s0] =	ssyncadd.tile.s32 @!p0 $0x1;
	_ =	shalt  }
.Lfunc_end2:
_tile_overlayer_lowered:
.L_overlay_start_2:
0xc2: {  	(tag) =	ssettag $0x2  }
0xc3: {  	s0 =	rddreg [dreg:$0x0];
	s2 =	stileid.u32  }
0xc4: {  	s1 =	rddreg [dreg:$0x1];
	p0 =	sne.s32 s2, $0x0  }
0xc5: {  	s3 =	rddreg [dreg:$0x2];
	[bflag:$0x3] =	sbarrier.arrive $0xFFFF;
	s2 =	simm.s32 @!p0 $0x1C01  }
0xc6: {  	[timem:s3], [sflag:s2] =	dma.local @!p0 [hbm:s0], s1  }
0xc7: {  	s0 =	simm.s32 @!p0 $0x1  }
0xc8: {  	_ =	swait.ge @!p0 [sflag:s0], s1  }
0xc9: {  	s1 =	ssub.s32 @!p0 $0x0, s1;
	[sflag:s0] =	ssyncset.done @!p0 $0x0  }
0xca: {  	[sflag:s0] =	ssyncadd.s32 @!p0 s1  }
0xcb: {  	[bflag:$0x3] =	sbarrier.arrive $0xFFFF  }
0xcc: {  	_ =	shalt  }

</sc_bundles>
